<compile_context>
chip_gen: v7x
topology: tpu7x:2x2x1
jax: 0.10.2.dev20260603
libtpu: 0.0.44.dev20260713+nightly
codegen_flags: <defaults>
</compile_context>

<pallas_src>
import functools

import jax
import jax.numpy as jnp
from jax import lax
from jax.experimental import pallas as pl
from jax.experimental.pallas import tpu as pltpu
from jax.experimental.pallas import tpu_sc as plsc

BATCH = 4096
SEQ = 200
EMBED = 64
VOCAB = 1000000
ROW = 128
VG = -(-VOCAB // ROW)
VPAD = VG * ROW

NC = 2
NS = 16
NW = NC * NS

A_SLABS = -(-VG // NW)
LANES_PER_W = BATCH // NW


def _iotas():
    return [lax.iota(jnp.int32, 16) + 16 * k for k in range(8)]


@functools.cache
def _build_stage_table():
    mesh = plsc.VectorSubcoreMesh(core_axis_name="c", subcore_axis_name="s")

    @functools.partial(
        pl.kernel,
        mesh=mesh,
        out_type=jax.ShapeDtypeStruct((VPAD, ROW), jnp.float32),
        scratch_types=[
            pltpu.VMEM((EMBED, ROW), jnp.float32),
            pltpu.VMEM((EMBED, ROW), jnp.float32),
            pltpu.VMEM((ROW, ROW), jnp.float32),
            pltpu.VMEM((ROW, ROW), jnp.float32),
            pltpu.SemaphoreType.DMA,
            pltpu.SemaphoreType.DMA,
            pltpu.SemaphoreType.DMA,
            pltpu.SemaphoreType.DMA,
        ],
        compiler_params=pltpu.CompilerParams(
            disable_bounds_checks=True, needs_layout_passes=False),
    )
    def _stage(tab_t, out, in0, in1, tr0, tr1, si0, si1, so0, so1):
        wid = lax.axis_index("s") * NC + lax.axis_index("c")
        inb = (in0, in1)
        trb = (tr0, tr1)
        si = (si0, si1)
        so = (so0, so1)
        iotas = _iotas()

        def in_range(t):
            return (t < A_SLABS) & (wid * A_SLABS + t < VG)

        def start_in(t, b):
            vg = wid * A_SLABS + t
            pltpu.async_copy(
                tab_t.at[pl.ds(0, EMBED), pl.ds(vg * ROW, ROW)], inb[b], si[b])

        def wait_in(b):
            pltpu.make_async_copy(
                tab_t.at[pl.ds(0, EMBED), pl.ds(0, ROW)], inb[b], si[b]).wait()

        def start_out(t, b):
            vg = wid * A_SLABS + t
            pltpu.async_copy(trb[b], out.at[pl.ds(vg * ROW, ROW)], so[b])

        def wait_out(b):
            pltpu.make_async_copy(trb[b], out.at[pl.ds(0, ROW)], so[b]).wait()

        def transpose(b):
            @plsc.parallel_loop(0, EMBED, unroll=4)
            def _(e):
                esplat = lax.broadcast(e, (16,))
                vals = [inb[b][e, pl.ds(16 * k, 16)] for k in range(8)]
                for k in range(8):
                    plsc.store_scatter(trb[b], [iotas[k], esplat], vals[k])

        start_in(0, 0)

        def body(t2, carry):
            for b in range(2):
                t = 2 * t2 + b
                ok = in_range(t)

                @pl.when(ok)
                def _():
                    wait_in(b)

                @pl.when(in_range(t + 1))
                def _():
                    start_in(t + 1, 1 - b)

                @pl.when(ok & (t >= 2))
                def _():
                    wait_out(b)

                @pl.when(ok)
                def _():
                    transpose(b)
                    start_out(t, b)
            return carry

        lax.fori_loop(0, -(-A_SLABS // 2), body, 0)
        wait_out(0)
        wait_out(1)

    return _stage


@functools.cache
def _build_gather():
    mesh = plsc.VectorSubcoreMesh(core_axis_name="c", subcore_axis_name="s")

    @functools.partial(
        pl.kernel,
        mesh=mesh,
        out_type=jax.ShapeDtypeStruct((SEQ, EMBED, BATCH), jnp.float32),
        scratch_types=[
            pltpu.VMEM((SEQ, LANES_PER_W), jnp.int32),
            pltpu.VMEM((LANES_PER_W, ROW), jnp.float32),
            pltpu.VMEM((LANES_PER_W, ROW), jnp.float32),
            pltpu.VMEM((EMBED, LANES_PER_W), jnp.float32),
            pltpu.VMEM((EMBED, LANES_PER_W), jnp.float32),
            pltpu.SemaphoreType.DMA,
            pltpu.SemaphoreType.DMA,
            pltpu.SemaphoreType.DMA,
            pltpu.SemaphoreType.DMA,
        ],
        compiler_params=pltpu.CompilerParams(
            disable_bounds_checks=True, needs_layout_passes=False),
    )
    def _gather(idx2d, table, out, idx_v, g0, g1, tr0, tr1, sg0, sg1, so0, so1):
        wid = lax.axis_index("s") * NC + lax.axis_index("c")
        lane0 = wid * LANES_PER_W
        gb = (g0, g1)
        trb = (tr0, tr1)
        sg = (sg0, sg1)
        so = (so0, so1)
        iotas = _iotas()

        pltpu.sync_copy(
            idx2d.at[pl.ds(0, SEQ), pl.ds(lane0, LANES_PER_W)], idx_v)

        def start_gather(s, b):
            pltpu.async_copy(table.at[idx_v.at[s]], gb[b], sg[b])

        def wait_gather(b):
            pltpu.make_async_copy(
                table.at[pl.ds(0, LANES_PER_W)], gb[b], sg[b]).wait()

        def start_out(s, b):
            pltpu.async_copy(
                trb[b],
                out.at[s, pl.ds(0, EMBED), pl.ds(lane0, LANES_PER_W)],
                so[b])

        def wait_out(b):
            pltpu.make_async_copy(
                trb[b],
                out.at[0, pl.ds(0, EMBED), pl.ds(lane0, LANES_PER_W)],
                so[b]).wait()

        def transpose(b):
            @plsc.parallel_loop(0, EMBED, unroll=4)
            def _(e):
                esplat = lax.broadcast(e, (16,))
                vals = [plsc.load_gather(gb[b], [iotas[k], esplat])
                        for k in range(8)]
                for k in range(8):
                    trb[b][e, pl.ds(16 * k, 16)] = vals[k]

        start_gather(0, 0)

        def body(t, carry):
            for b in range(2):
                s = 2 * t + b
                wait_gather(b)

                @pl.when(s + 1 < SEQ)
                def _():
                    start_gather(s + 1, 1 - b)

                @pl.when(s >= 2)
                def _():
                    wait_out(b)

                transpose(b)
                start_out(s, b)
            return carry

        lax.fori_loop(0, SEQ // 2, body, 0)
        wait_out(0)
        wait_out(1)

    return _gather


def kernel(token_matrix, table):
    idx2d = token_matrix.T.astype(jnp.int32)
    table128 = _build_stage_table()(table.T)
    out3 = _build_gather()(idx2d, table128)
    return jnp.transpose(out3, (2, 0, 1))

# --- scband reference (transcript-rebuilt; emitter-appended) ---
"""Pipeline reference for scband-text-to-embedding-28003186770571 (READ-ONLY COPY).

The authoritative reference and input builder live on the scoring server;
editing this copy changes nothing except your own understanding.
"""

import jax, jax.numpy as jnp
import numpy as np

BATCH = 4096
SEQ = 200
VOCAB = 1000000
EMBED = 64


def setup_inputs(seed: int = 0) -> dict:
    key = jax.random.key(seed)
    k1, k2 = jax.random.split(key)
    # token_matrix corresponds to the padded output of the tokenizer loop in the
    # original forward (tokenizer treated as identity over pre-tokenized ids).
    token_matrix = jax.random.randint(k1, (BATCH, SEQ), 0, VOCAB)
    # pretrained embedding table (nn.Embedding.from_pretrained(vectors))
    table = jax.random.normal(k2, (VOCAB, EMBED), dtype=jnp.float32)
    return {"token_matrix": token_matrix, "table": table}


def reference(token_matrix, table):
    # embeddings = self.embed(token_matrix)
    embeddings = jnp.take(table, token_matrix, axis=0)
    return embeddings

if __name__ == "__main__":
    import jax
    _d = setup_inputs()
    print(jax.jit(kernel)(*tuple(_d.values())))

</pallas_src>

<mosaic_0001>
#map = affine_map<(d0, d1) -> (0, 0)>
module attributes {stable_mosaic.version = 14 : i64} {
  func.func @_stage(%arg0: i32, %arg1: i32, %arg2: memref<64x1000000xf32, #tpu.memory_space<hbm>>, %arg3: memref<1000064x128xf32, #tpu.memory_space<hbm>>, %arg4: memref<64x128xf32, #tpu.memory_space<vmem>>, %arg5: memref<64x128xf32, #tpu.memory_space<vmem>>, %arg6: memref<128x128xf32, #tpu.memory_space<vmem>>, %arg7: memref<128x128xf32, #tpu.memory_space<vmem>>, %arg8: memref<!tpu.dma_semaphore, #tpu.memory_space<semaphore_mem>>, %arg9: memref<!tpu.dma_semaphore, #tpu.memory_space<semaphore_mem>>, %arg10: memref<!tpu.dma_semaphore, #tpu.memory_space<semaphore_mem>>, %arg11: memref<!tpu.dma_semaphore, #tpu.memory_space<semaphore_mem>>) attributes {dimension_semantics = [#tpu.dimension_semantics<core_parallel>, #tpu.dimension_semantics<subcore_parallel>], iteration_bounds = array<i64: 2, 16>, scalar_prefetch = 0 : i64, scratch_operands = 8 : i64, tpu.core_type = #tpu.core_type<sc_vector_subcore>, window_params = [{transform_indices = #map}, {transform_indices = #map}]} {
    %mul3A = arith.constant 2 : i32
    %mul3A_0 = arith.muli %arg1, %mul3A : i32
    %add3A = arith.addi %mul3A_0, %arg0 : i32
    %iota3A = tpu.iota {dimensions = array<i32: 0>} : vector<16xi32>
    %add3A_1 = arith.constant 0 : i32
    %add3A_2 = vector.broadcast %add3A_1 : i32 to vector<16xi32>
    %add3A_3 = arith.addi %iota3A, %add3A_2 : vector<16xi32>
    %iota3A_4 = tpu.iota {dimensions = array<i32: 0>} : vector<16xi32>
    %add3A_5 = arith.constant 16 : i32
    %add3A_6 = vector.broadcast %add3A_5 : i32 to vector<16xi32>
    %add3A_7 = arith.addi %iota3A_4, %add3A_6 : vector<16xi32>
    %iota3A_8 = tpu.iota {dimensions = array<i32: 0>} : vector<16xi32>
    %add3A_9 = arith.constant 32 : i32
    %add3A_10 = vector.broadcast %add3A_9 : i32 to vector<16xi32>
    %add3A_11 = arith.addi %iota3A_8, %add3A_10 : vector<16xi32>
    %iota3A_12 = tpu.iota {dimensions = array<i32: 0>} : vector<16xi32>
    %add3A_13 = arith.constant 48 : i32
    %add3A_14 = vector.broadcast %add3A_13 : i32 to vector<16xi32>
    %add3A_15 = arith.addi %iota3A_12, %add3A_14 : vector<16xi32>
    %iota3A_16 = tpu.iota {dimensions = array<i32: 0>} : vector<16xi32>
    %add3A_17 = arith.constant 64 : i32
    %add3A_18 = vector.broadcast %add3A_17 : i32 to vector<16xi32>
    %add3A_19 = arith.addi %iota3A_16, %add3A_18 : vector<16xi32>
    %iota3A_20 = tpu.iota {dimensions = array<i32: 0>} : vector<16xi32>
    %add3A_21 = arith.constant 80 : i32
    %add3A_22 = vector.broadcast %add3A_21 : i32 to vector<16xi32>
    %add3A_23 = arith.addi %iota3A_20, %add3A_22 : vector<16xi32>
    %iota3A_24 = tpu.iota {dimensions = array<i32: 0>} : vector<16xi32>
    %add3A_25 = arith.constant 96 : i32
    %add3A_26 = vector.broadcast %add3A_25 : i32 to vector<16xi32>
    %add3A_27 = arith.addi %iota3A_24, %add3A_26 : vector<16xi32>
    %iota3A_28 = tpu.iota {dimensions = array<i32: 0>} : vector<16xi32>
    %add3A_29 = arith.constant 112 : i32
    %add3A_30 = vector.broadcast %add3A_29 : i32 to vector<16xi32>
    %add3A_31 = arith.addi %iota3A_28, %add3A_30 : vector<16xi32>
    %mul3A_32 = arith.constant 245 : i32
    %mul3A_33 = arith.muli %add3A, %mul3A_32 : i32
    %add3A_34 = arith.constant 0 : i32
    %add3A_35 = arith.addi %mul3A_33, %add3A_34 : i32
    %mul3A_36 = arith.constant 128 : i32
    %mul3A_37 = arith.muli %add3A_35, %mul3A_36 : i32
    %dma_start3A = arith.constant 0 : i32
    %dma_start3A_38 = tpu.memref_slice %arg2[%dma_start3A, %mul3A_37] : memref<64x1000000xf32, #tpu.memory_space<hbm>> -> memref<64x128xf32, #tpu.memory_space<hbm>>
    %dma_start3A_39 = arith.constant 0 : i32
    %dma_start3A_40 = tpu.memref_slice %arg2[%dma_start3A_39, %mul3A_37] : memref<64x1000000xf32, #tpu.memory_space<hbm>> -> memref<64x128xf32, #tpu.memory_space<hbm>>
    tpu.enqueue_dma source(%dma_start3A_40 : memref<64x128xf32, #tpu.memory_space<hbm>>) target(%arg4 : memref<64x128xf32, #tpu.memory_space<vmem>>) target_semaphore(%arg8 : memref<!tpu.dma_semaphore, #tpu.memory_space<semaphore_mem>>)
    %scan3A = arith.constant 0 : i32
    %scan3A_41 = arith.constant 0 : i32
    %scan3A_42 = arith.constant 123 : i32
    %scan3A_43 = arith.addi %scan3A_41, %scan3A_42 : i32
    %scan3A_44 = arith.constant 1 : i32
    scf.for %scan3A_57 = %scan3A_41 to %scan3A_43 step %scan3A_44  : i32 {
      %mul3A_58 = arith.constant 2 : i32
      %mul3A_59 = arith.muli %mul3A_58, %scan3A_57 : i32
      %add3A_60 = arith.constant 0 : i32
      %add3A_61 = arith.addi %mul3A_59, %add3A_60 : i32
      %lt3A = arith.constant 245 : i32
      %lt3A_62 = arith.cmpi slt, %add3A_61, %lt3A : i32
      %mul3A_63 = arith.constant 245 : i32
      %mul3A_64 = arith.muli %add3A, %mul3A_63 : i32
      %add3A_65 = arith.addi %mul3A_64, %add3A_61 : i32
      %lt3A_66 = arith.constant 7813 : i32
      %lt3A_67 = arith.cmpi slt, %add3A_65, %lt3A_66 : i32
      %and3A = arith.andi %lt3A_62, %lt3A_67 : i1
      %convert_element_type3A = arith.extui %and3A : i1 to i32
      %cond3A = arith.constant 0 : i32
      %cond3A_68 = arith.cmpi ne, %convert_element_type3A, %cond3A : i32
      scf.if %cond3A_68 {
        %dma_wait3A_127 = arith.constant 0 : i32
        %dma_wait3A_128 = arith.constant 0 : i32
        %dma_wait3A_129 = tpu.memref_slice %arg2[%dma_wait3A_127, %dma_wait3A_128] : memref<64x1000000xf32, #tpu.memory_space<hbm>> -> memref<64x128xf32, #tpu.memory_space<hbm>>
        %dma_wait3A_130 = arith.constant 0 : i32
        %dma_wait3A_131 = arith.constant 0 : i32
        %dma_wait3A_132 = tpu.memref_slice %arg2[%dma_wait3A_130, %dma_wait3A_131] : memref<64x1000000xf32, #tpu.memory_space<hbm>> -> memref<64x128xf32, #tpu.memory_space<hbm>>
        tpu.wait_dma2 semaphore(%arg8 : memref<!tpu.dma_semaphore, #tpu.memory_space<semaphore_mem>>) src(%dma_wait3A_132 : memref<64x128xf32, #tpu.memory_space<hbm>>) dst(%arg4 : memref<64x128xf32, #tpu.memory_space<vmem>>)
      } else {
      }
      %add3A_69 = arith.constant 1 : i32
      %add3A_70 = arith.addi %add3A_61, %add3A_69 : i32
      %lt3A_71 = arith.constant 245 : i32
      %lt3A_72 = arith.cmpi slt, %add3A_70, %lt3A_71 : i32
      %mul3A_73 = arith.constant 245 : i32
      %mul3A_74 = arith.muli %add3A, %mul3A_73 : i32
      %add3A_75 = arith.addi %mul3A_74, %add3A_70 : i32
      %lt3A_76 = arith.constant 7813 : i32
      %lt3A_77 = arith.cmpi slt, %add3A_75, %lt3A_76 : i32
      %and3A_78 = arith.andi %lt3A_72, %lt3A_77 : i1
      %convert_element_type3A_79 = arith.extui %and3A_78 : i1 to i32
      %cond3A_80 = arith.constant 0 : i32
      %cond3A_81 = arith.cmpi ne, %convert_element_type3A_79, %cond3A_80 : i32
      scf.if %cond3A_81 {
        %add3A_127 = arith.constant 1 : i32
        %add3A_128 = arith.addi %add3A_61, %add3A_127 : i32
        %mul3A_129 = arith.constant 245 : i32
        %mul3A_130 = arith.muli %add3A, %mul3A_129 : i32
        %add3A_131 = arith.addi %mul3A_130, %add3A_128 : i32
        %mul3A_132 = arith.constant 128 : i32
        %mul3A_133 = arith.muli %add3A_131, %mul3A_132 : i32
        %dma_start3A_134 = arith.constant 0 : i32
        %dma_start3A_135 = tpu.memref_slice %arg2[%dma_start3A_134, %mul3A_133] : memref<64x1000000xf32, #tpu.memory_space<hbm>> -> memref<64x128xf32, #tpu.memory_space<hbm>>
        %dma_start3A_136 = arith.constant 0 : i32
        %dma_start3A_137 = tpu.memref_slice %arg2[%dma_start3A_136, %mul3A_133] : memref<64x1000000xf32, #tpu.memory_space<hbm>> -> memref<64x128xf32, #tpu.memory_space<hbm>>
        tpu.enqueue_dma source(%dma_start3A_137 : memref<64x128xf32, #tpu.memory_space<hbm>>) target(%arg5 : memref<64x128xf32, #tpu.memory_space<vmem>>) target_semaphore(%arg9 : memref<!tpu.dma_semaphore, #tpu.memory_space<semaphore_mem>>)
      } else {
      }
      %ge3A = arith.constant 2 : i32
      %ge3A_82 = arith.cmpi sge, %add3A_61, %ge3A : i32
      %and3A_83 = arith.andi %and3A, %ge3A_82 : i1
      %convert_element_type3A_84 = arith.extui %and3A_83 : i1 to i32
      %cond3A_85 = arith.constant 0 : i32
      %cond3A_86 = arith.cmpi ne, %convert_element_type3A_84, %cond3A_85 : i32
      scf.if %cond3A_86 {
        %dma_wait3A_127 = arith.constant 0 : i32
        %dma_wait3A_128 = arith.constant 0 : i32
        %dma_wait3A_129 = tpu.memref_slice %arg3[%dma_wait3A_127, %dma_wait3A_128] : memref<1000064x128xf32, #tpu.memory_space<hbm>> -> memref<128x128xf32, #tpu.memory_space<hbm>>
        %dma_wait3A_130 = arith.constant 0 : i32
        %dma_wait3A_131 = arith.constant 0 : i32
        %dma_wait3A_132 = tpu.memref_slice %arg3[%dma_wait3A_130, %dma_wait3A_131] : memref<1000064x128xf32, #tpu.memory_space<hbm>> -> memref<128x128xf32, #tpu.memory_space<hbm>>
        tpu.wait_dma2 semaphore(%arg10 : memref<!tpu.dma_semaphore, #tpu.memory_space<semaphore_mem>>) src(%arg6 : memref<128x128xf32, #tpu.memory_space<vmem>>) dst(%dma_wait3A_132 : memref<128x128xf32, #tpu.memory_space<hbm>>)
      } else {
      }
      %convert_element_type3A_87 = arith.extui %and3A : i1 to i32
      %cond3A_88 = arith.constant 0 : i32
      %cond3A_89 = arith.cmpi ne, %convert_element_type3A_87, %cond3A_88 : i32
      scf.if %cond3A_89 {
        %parallel_loop3A = arith.constant 0 : i32
        %parallel_loop3A_127 = arith.constant 64 : i32
        %parallel_loop3A_128 = arith.constant 1 : i32
        scf.for %parallel_loop3A_138 = %parallel_loop3A to %parallel_loop3A_127 step %parallel_loop3A_128  : i32 {
          %parallel_loop3A_139 = vector.broadcast %parallel_loop3A_138 : i32 to vector<16xi32>
          %parallel_loop3A_140 = arith.index_cast %parallel_loop3A_138 : i32 to index
          %parallel_loop3A_141 = arith.constant 0 : index
          %parallel_loop3A_142 = tpu.vector_load %arg4[%parallel_loop3A_140, %parallel_loop3A_141] {strides = array<i32>} : memref<64x128xf32, #tpu.memory_space<vmem>>, vector<16xf32>,
          %parallel_loop3A_143 = arith.index_cast %parallel_loop3A_138 : i32 to index
          %parallel_loop3A_144 = arith.constant 16 : index
          %parallel_loop3A_145 = tpu.vector_load %arg4[%parallel_loop3A_143, %parallel_loop3A_144] {strides = array<i32>} : memref<64x128xf32, #tpu.memory_space<vmem>>, vector<16xf32>,
          %parallel_loop3A_146 = arith.index_cast %parallel_loop3A_138 : i32 to index
          %parallel_loop3A_147 = arith.constant 32 : index
          %parallel_loop3A_148 = tpu.vector_load %arg4[%parallel_loop3A_146, %parallel_loop3A_147] {strides = array<i32>} : memref<64x128xf32, #tpu.memory_space<vmem>>, vector<16xf32>,
          %parallel_loop3A_149 = arith.index_cast %parallel_loop3A_138 : i32 to index
          %parallel_loop3A_150 = arith.constant 48 : index
          %parallel_loop3A_151 = tpu.vector_load %arg4[%parallel_loop3A_149, %parallel_loop3A_150] {strides = array<i32>} : memref<64x128xf32, #tpu.memory_space<vmem>>, vector<16xf32>,
          %parallel_loop3A_152 = arith.index_cast %parallel_loop3A_138 : i32 to index
          %parallel_loop3A_153 = arith.constant 64 : index
          %parallel_loop3A_154 = tpu.vector_load %arg4[%parallel_loop3A_152, %parallel_loop3A_153] {strides = array<i32>} : memref<64x128xf32, #tpu.memory_space<vmem>>, vector<16xf32>,
          %parallel_loop3A_155 = arith.index_cast %parallel_loop3A_138 : i32 to index
          %parallel_loop3A_156 = arith.constant 80 : index
          %parallel_loop3A_157 = tpu.vector_load %arg4[%parallel_loop3A_155, %parallel_loop3A_156] {strides = array<i32>} : memref<64x128xf32, #tpu.memory_space<vmem>>, vector<16xf32>,
          %parallel_loop3A_158 = arith.index_cast %parallel_loop3A_138 : i32 to index
          %parallel_loop3A_159 = arith.constant 96 : index
          %parallel_loop3A_160 = tpu.vector_load %arg4[%parallel_loop3A_158, %parallel_loop3A_159] {strides = array<i32>} : memref<64x128xf32, #tpu.memory_space<vmem>>, vector<16xf32>,
          %parallel_loop3A_161 = arith.index_cast %parallel_loop3A_138 : i32 to index
          %parallel_loop3A_162 = arith.constant 112 : index
          %parallel_loop3A_163 = tpu.vector_load %arg4[%parallel_loop3A_161, %parallel_loop3A_162] {strides = array<i32>} : memref<64x128xf32, #tpu.memory_space<vmem>>, vector<16xf32>,
          tpu.vector_store_idx %arg6[%add3A_3, %parallel_loop3A_139], %parallel_loop3A_142 : memref<128x128xf32, #tpu.memory_space<vmem>>[vector<16xi32>, vector<16xi32>], vector<16xf32>,
          tpu.vector_store_idx %arg6[%add3A_7, %parallel_loop3A_139], %parallel_loop3A_145 : memref<128x128xf32, #tpu.memory_space<vmem>>[vector<16xi32>, vector<16xi32>], vector<16xf32>,
          tpu.vector_store_idx %arg6[%add3A_11, %parallel_loop3A_139], %parallel_loop3A_148 : memref<128x128xf32, #tpu.memory_space<vmem>>[vector<16xi32>, vector<16xi32>], vector<16xf32>,
          tpu.vector_store_idx %arg6[%add3A_15, %parallel_loop3A_139], %parallel_loop3A_151 : memref<128x128xf32, #tpu.memory_space<vmem>>[vector<16xi32>, vector<16xi32>], vector<16xf32>,
          tpu.vector_store_idx %arg6[%add3A_19, %parallel_loop3A_139], %parallel_loop3A_154 : memref<128x128xf32, #tpu.memory_space<vmem>>[vector<16xi32>, vector<16xi32>], vector<16xf32>,
          tpu.vector_store_idx %arg6[%add3A_23, %parallel_loop3A_139], %parallel_loop3A_157 : memref<128x128xf32, #tpu.memory_space<vmem>>[vector<16xi32>, vector<16xi32>], vector<16xf32>,
          tpu.vector_store_idx %arg6[%add3A_27, %parallel_loop3A_139], %parallel_loop3A_160 : memref<128x128xf32, #tpu.memory_space<vmem>>[vector<16xi32>, vector<16xi32>], vector<16xf32>,
          tpu.vector_store_idx %arg6[%add3A_31, %parallel_loop3A_139], %parallel_loop3A_163 : memref<128x128xf32, #tpu.memory_space<vmem>>[vector<16xi32>, vector<16xi32>], vector<16xf32>,
        } {sc.loop_unroll_factor = 4 : i64, sc.parallel_access}
        %mul3A_129 = arith.constant 245 : i32
        %mul3A_130 = arith.muli %add3A, %mul3A_129 : i32
        %add3A_131 = arith.addi %mul3A_130, %add3A_61 : i32
        %mul3A_132 = arith.constant 128 : i32
        %mul3A_133 = arith.muli %add3A_131, %mul3A_132 : i32
        %dma_start3A_134 = arith.constant 0 : i32
        %dma_start3A_135 = tpu.memref_slice %arg3[%mul3A_133, %dma_start3A_134] : memref<1000064x128xf32, #tpu.memory_space<hbm>> -> memref<128x128xf32, #tpu.memory_space<hbm>>
        %dma_start3A_136 = arith.constant 0 : i32
        %dma_start3A_137 = tpu.memref_slice %arg3[%mul3A_133, %dma_start3A_136] : memref<1000064x128xf32, #tpu.memory_space<hbm>> -> memref<128x128xf32, #tpu.memory_space<hbm>>
        tpu.enqueue_dma source(%arg6 : memref<128x128xf32, #tpu.memory_space<vmem>>) target(%dma_start3A_137 : memref<128x128xf32, #tpu.memory_space<hbm>>) target_semaphore(%arg10 : memref<!tpu.dma_semaphore, #tpu.memory_space<semaphore_mem>>)
      } else {
      }
      %mul3A_90 = arith.constant 2 : i32
      %mul3A_91 = arith.muli %mul3A_90, %scan3A_57 : i32
      %add3A_92 = arith.constant 1 : i32
      %add3A_93 = arith.addi %mul3A_91, %add3A_92 : i32
      %lt3A_94 = arith.constant 245 : i32
      %lt3A_95 = arith.cmpi slt, %add3A_93, %lt3A_94 : i32
      %mul3A_96 = arith.constant 245 : i32
      %mul3A_97 = arith.muli %add3A, %mul3A_96 : i32
      %add3A_98 = arith.addi %mul3A_97, %add3A_93 : i32
      %lt3A_99 = arith.constant 7813 : i32
      %lt3A_100 = arith.cmpi slt, %add3A_98, %lt3A_99 : i32
      %and3A_101 = arith.andi %lt3A_95, %lt3A_100 : i1
      %convert_element_type3A_102 = arith.extui %and3A_101 : i1 to i32
      %cond3A_103 = arith.constant 0 : i32
      %cond3A_104 = arith.cmpi ne, %convert_element_type3A_102, %cond3A_103 : i32
      scf.if %cond3A_104 {
        %dma_wait3A_127 = arith.constant 0 : i32
        %dma_wait3A_128 = arith.constant 0 : i32
        %dma_wait3A_129 = tpu.memref_slice %arg2[%dma_wait3A_127, %dma_wait3A_128] : memref<64x1000000xf32, #tpu.memory_space<hbm>> -> memref<64x128xf32, #tpu.memory_space<hbm>>
        %dma_wait3A_130 = arith.constant 0 : i32
        %dma_wait3A_131 = arith.constant 0 : i32
        %dma_wait3A_132 = tpu.memref_slice %arg2[%dma_wait3A_130, %dma_wait3A_131] : memref<64x1000000xf32, #tpu.memory_space<hbm>> -> memref<64x128xf32, #tpu.memory_space<hbm>>
        tpu.wait_dma2 semaphore(%arg9 : memref<!tpu.dma_semaphore, #tpu.memory_space<semaphore_mem>>) src(%dma_wait3A_132 : memref<64x128xf32, #tpu.memory_space<hbm>>) dst(%arg5 : memref<64x128xf32, #tpu.memory_space<vmem>>)
      } else {
      }
      %add3A_105 = arith.constant 1 : i32
      %add3A_106 = arith.addi %add3A_93, %add3A_105 : i32
      %lt3A_107 = arith.constant 245 : i32
      %lt3A_108 = arith.cmpi slt, %add3A_106, %lt3A_107 : i32
      %mul3A_109 = arith.constant 245 : i32
      %mul3A_110 = arith.muli %add3A, %mul3A_109 : i32
      %add3A_111 = arith.addi %mul3A_110, %add3A_106 : i32
      %lt3A_112 = arith.constant 7813 : i32
      %lt3A_113 = arith.cmpi slt, %add3A_111, %lt3A_112 : i32
      %and3A_114 = arith.andi %lt3A_108, %lt3A_113 : i1
      %convert_element_type3A_115 = arith.extui %and3A_114 : i1 to i32
      %cond3A_116 = arith.constant 0 : i32
      %cond3A_117 = arith.cmpi ne, %convert_element_type3A_115, %cond3A_116 : i32
      scf.if %cond3A_117 {
        %add3A_127 = arith.constant 1 : i32
        %add3A_128 = arith.addi %add3A_93, %add3A_127 : i32
        %mul3A_129 = arith.constant 245 : i32
        %mul3A_130 = arith.muli %add3A, %mul3A_129 : i32
        %add3A_131 = arith.addi %mul3A_130, %add3A_128 : i32
        %mul3A_132 = arith.constant 128 : i32
        %mul3A_133 = arith.muli %add3A_131, %mul3A_132 : i32
        %dma_start3A_134 = arith.constant 0 : i32
        %dma_start3A_135 = tpu.memref_slice %arg2[%dma_start3A_134, %mul3A_133] : memref<64x1000000xf32, #tpu.memory_space<hbm>> -> memref<64x128xf32, #tpu.memory_space<hbm>>
        %dma_start3A_136 = arith.constant 0 : i32
        %dma_start3A_137 = tpu.memref_slice %arg2[%dma_start3A_136, %mul3A_133] : memref<64x1000000xf32, #tpu.memory_space<hbm>> -> memref<64x128xf32, #tpu.memory_space<hbm>>
        tpu.enqueue_dma source(%dma_start3A_137 : memref<64x128xf32, #tpu.memory_space<hbm>>) target(%arg4 : memref<64x128xf32, #tpu.memory_space<vmem>>) target_semaphore(%arg8 : memref<!tpu.dma_semaphore, #tpu.memory_space<semaphore_mem>>)
      } else {
      }
      %ge3A_118 = arith.constant 2 : i32
      %ge3A_119 = arith.cmpi sge, %add3A_93, %ge3A_118 : i32
      %and3A_120 = arith.andi %and3A_101, %ge3A_119 : i1
      %convert_element_type3A_121 = arith.extui %and3A_120 : i1 to i32
      %cond3A_122 = arith.constant 0 : i32
      %cond3A_123 = arith.cmpi ne, %convert_element_type3A_121, %cond3A_122 : i32
      scf.if %cond3A_123 {
        %dma_wait3A_127 = arith.constant 0 : i32
        %dma_wait3A_128 = arith.constant 0 : i32
        %dma_wait3A_129 = tpu.memref_slice %arg3[%dma_wait3A_127, %dma_wait3A_128] : memref<1000064x128xf32, #tpu.memory_space<hbm>> -> memref<128x128xf32, #tpu.memory_space<hbm>>
        %dma_wait3A_130 = arith.constant 0 : i32
        %dma_wait3A_131 = arith.constant 0 : i32
        %dma_wait3A_132 = tpu.memref_slice %arg3[%dma_wait3A_130, %dma_wait3A_131] : memref<1000064x128xf32, #tpu.memory_space<hbm>> -> memref<128x128xf32, #tpu.memory_space<hbm>>
        tpu.wait_dma2 semaphore(%arg11 : memref<!tpu.dma_semaphore, #tpu.memory_space<semaphore_mem>>) src(%arg7 : memref<128x128xf32, #tpu.memory_space<vmem>>) dst(%dma_wait3A_132 : memref<128x128xf32, #tpu.memory_space<hbm>>)
      } else {
      }
      %convert_element_type3A_124 = arith.extui %and3A_101 : i1 to i32
      %cond3A_125 = arith.constant 0 : i32
      %cond3A_126 = arith.cmpi ne, %convert_element_type3A_124, %cond3A_125 : i32
      scf.if %cond3A_126 {
        %parallel_loop3A = arith.constant 0 : i32
        %parallel_loop3A_127 = arith.constant 64 : i32
        %parallel_loop3A_128 = arith.constant 1 : i32
        scf.for %parallel_loop3A_138 = %parallel_loop3A to %parallel_loop3A_127 step %parallel_loop3A_128  : i32 {
          %parallel_loop3A_139 = vector.broadcast %parallel_loop3A_138 : i32 to vector<16xi32>
          %parallel_loop3A_140 = arith.index_cast %parallel_loop3A_138 : i32 to index
          %parallel_loop3A_141 = arith.constant 0 : index
          %parallel_loop3A_142 = tpu.vector_load %arg5[%parallel_loop3A_140, %parallel_loop3A_141] {strides = array<i32>} : memref<64x128xf32, #tpu.memory_space<vmem>>, vector<16xf32>,
          %parallel_loop3A_143 = arith.index_cast %parallel_loop3A_138 : i32 to index
          %parallel_loop3A_144 = arith.constant 16 : index
          %parallel_loop3A_145 = tpu.vector_load %arg5[%parallel_loop3A_143, %parallel_loop3A_144] {strides = array<i32>} : memref<64x128xf32, #tpu.memory_space<vmem>>, vector<16xf32>,
          %parallel_loop3A_146 = arith.index_cast %parallel_loop3A_138 : i32 to index
          %parallel_loop3A_147 = arith.constant 32 : index
          %parallel_loop3A_148 = tpu.vector_load %arg5[%parallel_loop3A_146, %parallel_loop3A_147] {strides = array<i32>} : memref<64x128xf32, #tpu.memory_space<vmem>>, vector<16xf32>,
          %parallel_loop3A_149 = arith.index_cast %parallel_loop3A_138 : i32 to index
          %parallel_loop3A_150 = arith.constant 48 : index
          %parallel_loop3A_151 = tpu.vector_load %arg5[%parallel_loop3A_149, %parallel_loop3A_150] {strides = array<i32>} : memref<64x128xf32, #tpu.memory_space<vmem>>, vector<16xf32>,
          %parallel_loop3A_152 = arith.index_cast %parallel_loop3A_138 : i32 to index
          %parallel_loop3A_153 = arith.constant 64 : index
          %parallel_loop3A_154 = tpu.vector_load %arg5[%parallel_loop3A_152, %parallel_loop3A_153] {strides = array<i32>} : memref<64x128xf32, #tpu.memory_space<vmem>>, vector<16xf32>,
          %parallel_loop3A_155 = arith.index_cast %parallel_loop3A_138 : i32 to index
          %parallel_loop3A_156 = arith.constant 80 : index
          %parallel_loop3A_157 = tpu.vector_load %arg5[%parallel_loop3A_155, %parallel_loop3A_156] {strides = array<i32>} : memref<64x128xf32, #tpu.memory_space<vmem>>, vector<16xf32>,
          %parallel_loop3A_158 = arith.index_cast %parallel_loop3A_138 : i32 to index
          %parallel_loop3A_159 = arith.constant 96 : index
          %parallel_loop3A_160 = tpu.vector_load %arg5[%parallel_loop3A_158, %parallel_loop3A_159] {strides = array<i32>} : memref<64x128xf32, #tpu.memory_space<vmem>>, vector<16xf32>,
          %parallel_loop3A_161 = arith.index_cast %parallel_loop3A_138 : i32 to index
          %parallel_loop3A_162 = arith.constant 112 : index
          %parallel_loop3A_163 = tpu.vector_load %arg5[%parallel_loop3A_161, %parallel_loop3A_162] {strides = array<i32>} : memref<64x128xf32, #tpu.memory_space<vmem>>, vector<16xf32>,
          tpu.vector_store_idx %arg7[%add3A_3, %parallel_loop3A_139], %parallel_loop3A_142 : memref<128x128xf32, #tpu.memory_space<vmem>>[vector<16xi32>, vector<16xi32>], vector<16xf32>,
          tpu.vector_store_idx %arg7[%add3A_7, %parallel_loop3A_139], %parallel_loop3A_145 : memref<128x128xf32, #tpu.memory_space<vmem>>[vector<16xi32>, vector<16xi32>], vector<16xf32>,
          tpu.vector_store_idx %arg7[%add3A_11, %parallel_loop3A_139], %parallel_loop3A_148 : memref<128x128xf32, #tpu.memory_space<vmem>>[vector<16xi32>, vector<16xi32>], vector<16xf32>,
          tpu.vector_store_idx %arg7[%add3A_15, %parallel_loop3A_139], %parallel_loop3A_151 : memref<128x128xf32, #tpu.memory_space<vmem>>[vector<16xi32>, vector<16xi32>], vector<16xf32>,
          tpu.vector_store_idx %arg7[%add3A_19, %parallel_loop3A_139], %parallel_loop3A_154 : memref<128x128xf32, #tpu.memory_space<vmem>>[vector<16xi32>, vector<16xi32>], vector<16xf32>,
          tpu.vector_store_idx %arg7[%add3A_23, %parallel_loop3A_139], %parallel_loop3A_157 : memref<128x128xf32, #tpu.memory_space<vmem>>[vector<16xi32>, vector<16xi32>], vector<16xf32>,
          tpu.vector_store_idx %arg7[%add3A_27, %parallel_loop3A_139], %parallel_loop3A_160 : memref<128x128xf32, #tpu.memory_space<vmem>>[vector<16xi32>, vector<16xi32>], vector<16xf32>,
          tpu.vector_store_idx %arg7[%add3A_31, %parallel_loop3A_139], %parallel_loop3A_163 : memref<128x128xf32, #tpu.memory_space<vmem>>[vector<16xi32>, vector<16xi32>], vector<16xf32>,
        } {sc.loop_unroll_factor = 4 : i64, sc.parallel_access}
        %mul3A_129 = arith.constant 245 : i32
        %mul3A_130 = arith.muli %add3A, %mul3A_129 : i32
        %add3A_131 = arith.addi %mul3A_130, %add3A_93 : i32
        %mul3A_132 = arith.constant 128 : i32
        %mul3A_133 = arith.muli %add3A_131, %mul3A_132 : i32
        %dma_start3A_134 = arith.constant 0 : i32
        %dma_start3A_135 = tpu.memref_slice %arg3[%mul3A_133, %dma_start3A_134] : memref<1000064x128xf32, #tpu.memory_space<hbm>> -> memref<128x128xf32, #tpu.memory_space<hbm>>
        %dma_start3A_136 = arith.constant 0 : i32
        %dma_start3A_137 = tpu.memref_slice %arg3[%mul3A_133, %dma_start3A_136] : memref<1000064x128xf32, #tpu.memory_space<hbm>> -> memref<128x128xf32, #tpu.memory_space<hbm>>
        tpu.enqueue_dma source(%arg7 : memref<128x128xf32, #tpu.memory_space<vmem>>) target(%dma_start3A_137 : memref<128x128xf32, #tpu.memory_space<hbm>>) target_semaphore(%arg11 : memref<!tpu.dma_semaphore, #tpu.memory_space<semaphore_mem>>)
      } else {
      }
    }
    %scan3A_45 = arith.constant 123 : i32
    %dma_wait3A = arith.constant 0 : i32
    %dma_wait3A_46 = arith.constant 0 : i32
    %dma_wait3A_47 = tpu.memref_slice %arg3[%dma_wait3A, %dma_wait3A_46] : memref<1000064x128xf32, #tpu.memory_space<hbm>> -> memref<128x128xf32, #tpu.memory_space<hbm>>
    %dma_wait3A_48 = arith.constant 0 : i32
    %dma_wait3A_49 = arith.constant 0 : i32
    %dma_wait3A_50 = tpu.memref_slice %arg3[%dma_wait3A_48, %dma_wait3A_49] : memref<1000064x128xf32, #tpu.memory_space<hbm>> -> memref<128x128xf32, #tpu.memory_space<hbm>>
    tpu.wait_dma2 semaphore(%arg10 : memref<!tpu.dma_semaphore, #tpu.memory_space<semaphore_mem>>) src(%arg6 : memref<128x128xf32, #tpu.memory_space<vmem>>) dst(%dma_wait3A_50 : memref<128x128xf32, #tpu.memory_space<hbm>>)
    %dma_wait3A_51 = arith.constant 0 : i32
    %dma_wait3A_52 = arith.constant 0 : i32
    %dma_wait3A_53 = tpu.memref_slice %arg3[%dma_wait3A_51, %dma_wait3A_52] : memref<1000064x128xf32, #tpu.memory_space<hbm>> -> memref<128x128xf32, #tpu.memory_space<hbm>>
    %dma_wait3A_54 = arith.constant 0 : i32
    %dma_wait3A_55 = arith.constant 0 : i32
    %dma_wait3A_56 = tpu.memref_slice %arg3[%dma_wait3A_54, %dma_wait3A_55] : memref<1000064x128xf32, #tpu.memory_space<hbm>> -> memref<128x128xf32, #tpu.memory_space<hbm>>
    tpu.wait_dma2 semaphore(%arg11 : memref<!tpu.dma_semaphore, #tpu.memory_space<semaphore_mem>>) src(%arg7 : memref<128x128xf32, #tpu.memory_space<vmem>>) dst(%dma_wait3A_56 : memref<128x128xf32, #tpu.memory_space<hbm>>)
    return
  }
}

#map = affine_map<(d0, d1) -> (0, 0)>
#map1 = affine_map<(d0, d1) -> (0, 0, 0)>
module attributes {stable_mosaic.version = 14 : i64} {
  func.func @_gather(%arg0: i32, %arg1: i32, %arg2: memref<200x4096xi32, #tpu.memory_space<hbm>>, %arg3: memref<1000064x128xf32, #tpu.memory_space<hbm>>, %arg4: memref<200x64x4096xf32, #tpu.memory_space<hbm>>, %arg5: memref<200x128xi32, #tpu.memory_space<vmem>>, %arg6: memref<128x128xf32, #tpu.memory_space<vmem>>, %arg7: memref<128x128xf32, #tpu.memory_space<vmem>>, %arg8: memref<64x128xf32, #tpu.memory_space<vmem>>, %arg9: memref<64x128xf32, #tpu.memory_space<vmem>>, %arg10: memref<!tpu.dma_semaphore, #tpu.memory_space<semaphore_mem>>, %arg11: memref<!tpu.dma_semaphore, #tpu.memory_space<semaphore_mem>>, %arg12: memref<!tpu.dma_semaphore, #tpu.memory_space<semaphore_mem>>, %arg13: memref<!tpu.dma_semaphore, #tpu.memory_space<semaphore_mem>>) attributes {dimension_semantics = [#tpu.dimension_semantics<core_parallel>, #tpu.dimension_semantics<subcore_parallel>], iteration_bounds = array<i64: 2, 16>, scalar_prefetch = 0 : i64, scratch_operands = 9 : i64, tpu.core_type = #tpu.core_type<sc_vector_subcore>, window_params = [{transform_indices = #map}, {transform_indices = #map}, {transform_indices = #map1}]} {
    %mul3A = arith.constant 2 : i32
    %mul3A_0 = arith.muli %arg1, %mul3A : i32
    %add3A = arith.addi %mul3A_0, %arg0 : i32
    %mul3A_1 = arith.constant 128 : i32
    %mul3A_2 = arith.muli %add3A, %mul3A_1 : i32
    %iota3A = tpu.iota {dimensions = array<i32: 0>} : vector<16xi32>
    %add3A_3 = arith.constant 0 : i32
    %add3A_4 = vector.broadcast %add3A_3 : i32 to vector<16xi32>
    %add3A_5 = arith.addi %iota3A, %add3A_4 : vector<16xi32>
    %iota3A_6 = tpu.iota {dimensions = array<i32: 0>} : vector<16xi32>
    %add3A_7 = arith.constant 16 : i32
    %add3A_8 = vector.broadcast %add3A_7 : i32 to vector<16xi32>
    %add3A_9 = arith.addi %iota3A_6, %add3A_8 : vector<16xi32>
    %iota3A_10 = tpu.iota {dimensions = array<i32: 0>} : vector<16xi32>
    %add3A_11 = arith.constant 32 : i32
    %add3A_12 = vector.broadcast %add3A_11 : i32 to vector<16xi32>
    %add3A_13 = arith.addi %iota3A_10, %add3A_12 : vector<16xi32>
    %iota3A_14 = tpu.iota {dimensions = array<i32: 0>} : vector<16xi32>
    %add3A_15 = arith.constant 48 : i32
    %add3A_16 = vector.broadcast %add3A_15 : i32 to vector<16xi32>
    %add3A_17 = arith.addi %iota3A_14, %add3A_16 : vector<16xi32>
    %iota3A_18 = tpu.iota {dimensions = array<i32: 0>} : vector<16xi32>
    %add3A_19 = arith.constant 64 : i32
    %add3A_20 = vector.broadcast %add3A_19 : i32 to vector<16xi32>
    %add3A_21 = arith.addi %iota3A_18, %add3A_20 : vector<16xi32>
    %iota3A_22 = tpu.iota {dimensions = array<i32: 0>} : vector<16xi32>
    %add3A_23 = arith.constant 80 : i32
    %add3A_24 = vector.broadcast %add3A_23 : i32 to vector<16xi32>
    %add3A_25 = arith.addi %iota3A_22, %add3A_24 : vector<16xi32>
    %iota3A_26 = tpu.iota {dimensions = array<i32: 0>} : vector<16xi32>
    %add3A_27 = arith.constant 96 : i32
    %add3A_28 = vector.broadcast %add3A_27 : i32 to vector<16xi32>
    %add3A_29 = arith.addi %iota3A_26, %add3A_28 : vector<16xi32>
    %iota3A_30 = tpu.iota {dimensions = array<i32: 0>} : vector<16xi32>
    %add3A_31 = arith.constant 112 : i32
    %add3A_32 = vector.broadcast %add3A_31 : i32 to vector<16xi32>
    %add3A_33 = arith.addi %iota3A_30, %add3A_32 : vector<16xi32>
    "tpu.region"() ({
      %run_scoped3A = tpu.sem_alloc : memref<!tpu.dma_semaphore, #tpu.memory_space<semaphore_mem>>
      %dma_start3A_58 = arith.constant 0 : i32
      %dma_start3A_59 = tpu.memref_slice %arg2[%dma_start3A_58, %mul3A_2] : memref<200x4096xi32, #tpu.memory_space<hbm>> -> memref<200x128xi32, #tpu.memory_space<hbm>>
      %dma_start3A_60 = arith.constant 0 : i32
      %dma_start3A_61 = tpu.memref_slice %arg2[%dma_start3A_60, %mul3A_2] : memref<200x4096xi32, #tpu.memory_space<hbm>> -> memref<200x128xi32, #tpu.memory_space<hbm>>
      tpu.enqueue_dma source(%dma_start3A_61 : memref<200x128xi32, #tpu.memory_space<hbm>>) target(%arg5 : memref<200x128xi32, #tpu.memory_space<vmem>>) target_semaphore(%run_scoped3A : memref<!tpu.dma_semaphore, #tpu.memory_space<semaphore_mem>>)
      %dma_wait3A_62 = arith.constant 0 : i32
      %dma_wait3A_63 = tpu.memref_slice %arg2[%dma_wait3A_62, %mul3A_2] : memref<200x4096xi32, #tpu.memory_space<hbm>> -> memref<200x128xi32, #tpu.memory_space<hbm>>
      %dma_wait3A_64 = arith.constant 0 : i32
      %dma_wait3A_65 = tpu.memref_slice %arg2[%dma_wait3A_64, %mul3A_2] : memref<200x4096xi32, #tpu.memory_space<hbm>> -> memref<200x128xi32, #tpu.memory_space<hbm>>
      tpu.wait_dma2 semaphore(%run_scoped3A : memref<!tpu.dma_semaphore, #tpu.memory_space<semaphore_mem>>) src(%dma_wait3A_65 : memref<200x128xi32, #tpu.memory_space<hbm>>) dst(%arg5 : memref<200x128xi32, #tpu.memory_space<vmem>>)
      tpu.yield
    }) : () -> ()
    %dma_start3A = arith.constant 0 : i32
    %dma_start3A_34 = arith.constant 0 : i32
    %dma_start3A_35 = tpu.memref_slice %arg5[%dma_start3A, %dma_start3A_34] : memref<200x128xi32, #tpu.memory_space<vmem>> -> memref<1x128xi32, #tpu.memory_space<vmem>>
    %dma_start3A_36 = tpu.memref_squeeze %dma_start3A_35 : memref<1x128xi32, #tpu.memory_space<vmem>> -> memref<128xi32, #tpu.memory_space<vmem>>
    %dma_start3A_37 = arith.constant 0 : i32
    %dma_start3A_38 = arith.constant 0 : i32
    %dma_start3A_39 = tpu.memref_slice %arg3[%dma_start3A_37, %dma_start3A_38] : memref<1000064x128xf32, #tpu.memory_space<hbm>> -> memref<1000064x128xf32, #tpu.memory_space<hbm>>
    tpu.enqueue_indirect_dma source(%dma_start3A_39 : memref<1000064x128xf32, #tpu.memory_space<hbm>>) target(%arg6 : memref<128x128xf32, #tpu.memory_space<vmem>>) offsets(%dma_start3A_36 : memref<128xi32, #tpu.memory_space<vmem>>) semaphore(%arg10 : memref<!tpu.dma_semaphore, #tpu.memory_space<semaphore_mem>>)
    %scan3A = arith.constant 0 : i32
    %scan3A_40 = arith.constant 0 : i32
    %scan3A_41 = arith.constant 100 : i32
    %scan3A_42 = arith.addi %scan3A_40, %scan3A_41 : i32
    %scan3A_43 = arith.constant 1 : i32
    scf.for %scan3A_58 = %scan3A_40 to %scan3A_42 step %scan3A_43  : i32 {
      %mul3A_59 = arith.constant 2 : i32
      %mul3A_60 = arith.muli %mul3A_59, %scan3A_58 : i32
      %add3A_61 = arith.constant 0 : i32
      %add3A_62 = arith.addi %mul3A_60, %add3A_61 : i32
      %dma_wait3A_63 = arith.constant 0 : i32
      %dma_wait3A_64 = arith.constant 0 : i32
      %dma_wait3A_65 = tpu.memref_slice %arg3[%dma_wait3A_63, %dma_wait3A_64] : memref<1000064x128xf32, #tpu.memory_space<hbm>> -> memref<128x128xf32, #tpu.memory_space<hbm>>
      %dma_wait3A_66 = arith.constant 0 : i32
      %dma_wait3A_67 = arith.constant 0 : i32
      %dma_wait3A_68 = tpu.memref_slice %arg3[%dma_wait3A_66, %dma_wait3A_67] : memref<1000064x128xf32, #tpu.memory_space<hbm>> -> memref<128x128xf32, #tpu.memory_space<hbm>>
      tpu.wait_dma2 semaphore(%arg10 : memref<!tpu.dma_semaphore, #tpu.memory_space<semaphore_mem>>) src(%dma_wait3A_68 : memref<128x128xf32, #tpu.memory_space<hbm>>) dst(%arg6 : memref<128x128xf32, #tpu.memory_space<vmem>>)
      %add3A_69 = arith.constant 1 : i32
      %add3A_70 = arith.addi %add3A_62, %add3A_69 : i32
      %lt3A = arith.constant 200 : i32
      %lt3A_71 = arith.cmpi slt, %add3A_70, %lt3A : i32
      %convert_element_type3A = arith.extui %lt3A_71 : i1 to i32
      %cond3A = arith.constant 0 : i32
      %cond3A_72 = arith.cmpi ne, %convert_element_type3A, %cond3A : i32
      scf.if %cond3A_72 {
        %add3A_116 = arith.constant 1 : i32
        %add3A_117 = arith.addi %add3A_62, %add3A_116 : i32
        %dma_start3A_118 = arith.constant 0 : i32
        %dma_start3A_119 = tpu.memref_slice %arg5[%add3A_117, %dma_start3A_118] : memref<200x128xi32, #tpu.memory_space<vmem>> -> memref<1x128xi32, #tpu.memory_space<vmem>>
        %dma_start3A_120 = tpu.memref_squeeze %dma_start3A_119 : memref<1x128xi32, #tpu.memory_space<vmem>> -> memref<128xi32, #tpu.memory_space<vmem>>
        %dma_start3A_121 = arith.constant 0 : i32
        %dma_start3A_122 = arith.constant 0 : i32
        %dma_start3A_123 = tpu.memref_slice %arg3[%dma_start3A_121, %dma_start3A_122] : memref<1000064x128xf32, #tpu.memory_space<hbm>> -> memref<1000064x128xf32, #tpu.memory_space<hbm>>
        tpu.enqueue_indirect_dma source(%dma_start3A_123 : memref<1000064x128xf32, #tpu.memory_space<hbm>>) target(%arg7 : memref<128x128xf32, #tpu.memory_space<vmem>>) offsets(%dma_start3A_120 : memref<128xi32, #tpu.memory_space<vmem>>) semaphore(%arg11 : memref<!tpu.dma_semaphore, #tpu.memory_space<semaphore_mem>>)
      } else {
      }
      %ge3A = arith.constant 2 : i32
      %ge3A_73 = arith.cmpi sge, %add3A_62, %ge3A : i32
      %convert_element_type3A_74 = arith.extui %ge3A_73 : i1 to i32
      %cond3A_75 = arith.constant 0 : i32
      %cond3A_76 = arith.cmpi ne, %convert_element_type3A_74, %cond3A_75 : i32
      scf.if %cond3A_76 {
        %dma_wait3A_116 = arith.constant 0 : i32
        %dma_wait3A_117 = arith.constant 0 : i32
        %dma_wait3A_118 = tpu.memref_slice %arg4[%dma_wait3A_116, %dma_wait3A_117, %mul3A_2] : memref<200x64x4096xf32, #tpu.memory_space<hbm>> -> memref<1x64x128xf32, #tpu.memory_space<hbm>>
        %dma_wait3A_119 = tpu.memref_squeeze %dma_wait3A_118 : memref<1x64x128xf32, #tpu.memory_space<hbm>> -> memref<64x128xf32, #tpu.memory_space<hbm>>
        %dma_wait3A_120 = arith.constant 0 : i32
        %dma_wait3A_121 = tpu.memref_slice %arg4[%dma_wait3A_116, %dma_wait3A_120, %mul3A_2] : memref<200x64x4096xf32, #tpu.memory_space<hbm>> -> memref<1x64x128xf32, #tpu.memory_space<hbm>>
        %dma_wait3A_122 = tpu.memref_squeeze %dma_wait3A_121 : memref<1x64x128xf32, #tpu.memory_space<hbm>> -> memref<64x128xf32, #tpu.memory_space<hbm>>
        tpu.wait_dma2 semaphore(%arg12 : memref<!tpu.dma_semaphore, #tpu.memory_space<semaphore_mem>>) src(%arg8 : memref<64x128xf32, #tpu.memory_space<vmem>>) dst(%dma_wait3A_122 : memref<64x128xf32, #tpu.memory_space<hbm>>)
      } else {
      }
      %parallel_loop3A = arith.constant 0 : i32
      %parallel_loop3A_77 = arith.constant 64 : i32
      %parallel_loop3A_78 = arith.constant 1 : i32
      scf.for %parallel_loop3A_116 = %parallel_loop3A to %parallel_loop3A_77 step %parallel_loop3A_78  : i32 {
        %parallel_loop3A_117 = vector.broadcast %parallel_loop3A_116 : i32 to vector<16xi32>
        %parallel_loop3A_118 = tpu.vector_load_idx %arg6[%add3A_5, %parallel_loop3A_117] : memref<128x128xf32, #tpu.memory_space<vmem>>[vector<16xi32>, vector<16xi32>], vector<16xf32>,
        %parallel_loop3A_119 = tpu.vector_load_idx %arg6[%add3A_9, %parallel_loop3A_117] : memref<128x128xf32, #tpu.memory_space<vmem>>[vector<16xi32>, vector<16xi32>], vector<16xf32>,
        %parallel_loop3A_120 = tpu.vector_load_idx %arg6[%add3A_13, %parallel_loop3A_117] : memref<128x128xf32, #tpu.memory_space<vmem>>[vector<16xi32>, vector<16xi32>], vector<16xf32>,
        %parallel_loop3A_121 = tpu.vector_load_idx %arg6[%add3A_17, %parallel_loop3A_117] : memref<128x128xf32, #tpu.memory_space<vmem>>[vector<16xi32>, vector<16xi32>], vector<16xf32>,
        %parallel_loop3A_122 = tpu.vector_load_idx %arg6[%add3A_21, %parallel_loop3A_117] : memref<128x128xf32, #tpu.memory_space<vmem>>[vector<16xi32>, vector<16xi32>], vector<16xf32>,
        %parallel_loop3A_123 = tpu.vector_load_idx %arg6[%add3A_25, %parallel_loop3A_117] : memref<128x128xf32, #tpu.memory_space<vmem>>[vector<16xi32>, vector<16xi32>], vector<16xf32>,
        %parallel_loop3A_124 = tpu.vector_load_idx %arg6[%add3A_29, %parallel_loop3A_117] : memref<128x128xf32, #tpu.memory_space<vmem>>[vector<16xi32>, vector<16xi32>], vector<16xf32>,
        %parallel_loop3A_125 = tpu.vector_load_idx %arg6[%add3A_33, %parallel_loop3A_117] : memref<128x128xf32, #tpu.memory_space<vmem>>[vector<16xi32>, vector<16xi32>], vector<16xf32>,
        %parallel_loop3A_126 = arith.index_cast %parallel_loop3A_116 : i32 to index
        %parallel_loop3A_127 = arith.constant 0 : index
        %parallel_loop3A_128 = tpu.vector_load %arg8[%parallel_loop3A_126, %parallel_loop3A_127] {strides = array<i32>} : memref<64x128xf32, #tpu.memory_space<vmem>>, vector<16xf32>,
        tpu.vector_store %arg8[%parallel_loop3A_126, %parallel_loop3A_127], %parallel_loop3A_118 {strides = array<i32>} : memref<64x128xf32, #tpu.memory_space<vmem>>, vector<16xf32>,
        %parallel_loop3A_129 = arith.index_cast %parallel_loop3A_116 : i32 to index
        %parallel_loop3A_130 = arith.constant 16 : index
        %parallel_loop3A_131 = tpu.vector_load %arg8[%parallel_loop3A_129, %parallel_loop3A_130] {strides = array<i32>} : memref<64x128xf32, #tpu.memory_space<vmem>>, vector<16xf32>,
        tpu.vector_store %arg8[%parallel_loop3A_129, %parallel_loop3A_130], %parallel_loop3A_119 {strides = array<i32>} : memref<64x128xf32, #tpu.memory_space<vmem>>, vector<16xf32>,
        %parallel_loop3A_132 = arith.index_cast %parallel_loop3A_116 : i32 to index
        %parallel_loop3A_133 = arith.constant 32 : index
        %parallel_loop3A_134 = tpu.vector_load %arg8[%parallel_loop3A_132, %parallel_loop3A_133] {strides = array<i32>} : memref<64x128xf32, #tpu.memory_space<vmem>>, vector<16xf32>,
        tpu.vector_store %arg8[%parallel_loop3A_132, %parallel_loop3A_133], %parallel_loop3A_120 {strides = array<i32>} : memref<64x128xf32, #tpu.memory_space<vmem>>, vector<16xf32>,
        %parallel_loop3A_135 = arith.index_cast %parallel_loop3A_116 : i32 to index
        %parallel_loop3A_136 = arith.constant 48 : index
        %parallel_loop3A_137 = tpu.vector_load %arg8[%parallel_loop3A_135, %parallel_loop3A_136] {strides = array<i32>} : memref<64x128xf32, #tpu.memory_space<vmem>>, vector<16xf32>,
        tpu.vector_store %arg8[%parallel_loop3A_135, %parallel_loop3A_136], %parallel_loop3A_121 {strides = array<i32>} : memref<64x128xf32, #tpu.memory_space<vmem>>, vector<16xf32>,
        %parallel_loop3A_138 = arith.index_cast %parallel_loop3A_116 : i32 to index
        %parallel_loop3A_139 = arith.constant 64 : index
        %parallel_loop3A_140 = tpu.vector_load %arg8[%parallel_loop3A_138, %parallel_loop3A_139] {strides = array<i32>} : memref<64x128xf32, #tpu.memory_space<vmem>>, vector<16xf32>,
        tpu.vector_store %arg8[%parallel_loop3A_138, %parallel_loop3A_139], %parallel_loop3A_122 {strides = array<i32>} : memref<64x128xf32, #tpu.memory_space<vmem>>, vector<16xf32>,
        %parallel_loop3A_141 = arith.index_cast %parallel_loop3A_116 : i32 to index
        %parallel_loop3A_142 = arith.constant 80 : index
        %parallel_loop3A_143 = tpu.vector_load %arg8[%parallel_loop3A_141, %parallel_loop3A_142] {strides = array<i32>} : memref<64x128xf32, #tpu.memory_space<vmem>>, vector<16xf32>,
        tpu.vector_store %arg8[%parallel_loop3A_141, %parallel_loop3A_142], %parallel_loop3A_123 {strides = array<i32>} : memref<64x128xf32, #tpu.memory_space<vmem>>, vector<16xf32>,
        %parallel_loop3A_144 = arith.index_cast %parallel_loop3A_116 : i32 to index
        %parallel_loop3A_145 = arith.constant 96 : index
        %parallel_loop3A_146 = tpu.vector_load %arg8[%parallel_loop3A_144, %parallel_loop3A_145] {strides = array<i32>} : memref<64x128xf32, #tpu.memory_space<vmem>>, vector<16xf32>,
        tpu.vector_store %arg8[%parallel_loop3A_144, %parallel_loop3A_145], %parallel_loop3A_124 {strides = array<i32>} : memref<64x128xf32, #tpu.memory_space<vmem>>, vector<16xf32>,
        %parallel_loop3A_147 = arith.index_cast %parallel_loop3A_116 : i32 to index
        %parallel_loop3A_148 = arith.constant 112 : index
        %parallel_loop3A_149 = tpu.vector_load %arg8[%parallel_loop3A_147, %parallel_loop3A_148] {strides = array<i32>} : memref<64x128xf32, #tpu.memory_space<vmem>>, vector<16xf32>,
        tpu.vector_store %arg8[%parallel_loop3A_147, %parallel_loop3A_148], %parallel_loop3A_125 {strides = array<i32>} : memref<64x128xf32, #tpu.memory_space<vmem>>, vector<16xf32>,
      } {sc.loop_unroll_factor = 4 : i64, sc.parallel_access}
      %dma_start3A_79 = arith.constant 0 : i32
      %dma_start3A_80 = tpu.memref_slice %arg4[%add3A_62, %dma_start3A_79, %mul3A_2] : memref<200x64x4096xf32, #tpu.memory_space<hbm>> -> memref<1x64x128xf32, #tpu.memory_space<hbm>>
      %dma_start3A_81 = tpu.memref_squeeze %dma_start3A_80 : memref<1x64x128xf32, #tpu.memory_space<hbm>> -> memref<64x128xf32, #tpu.memory_space<hbm>>
      %dma_start3A_82 = arith.constant 0 : i32
      %dma_start3A_83 = tpu.memref_slice %arg4[%add3A_62, %dma_start3A_82, %mul3A_2] : memref<200x64x4096xf32, #tpu.memory_space<hbm>> -> memref<1x64x128xf32, #tpu.memory_space<hbm>>
      %dma_start3A_84 = tpu.memref_squeeze %dma_start3A_83 : memref<1x64x128xf32, #tpu.memory_space<hbm>> -> memref<64x128xf32, #tpu.memory_space<hbm>>
      tpu.enqueue_dma source(%arg8 : memref<64x128xf32, #tpu.memory_space<vmem>>) target(%dma_start3A_84 : memref<64x128xf32, #tpu.memory_space<hbm>>) target_semaphore(%arg12 : memref<!tpu.dma_semaphore, #tpu.memory_space<semaphore_mem>>)
      %mul3A_85 = arith.constant 2 : i32
      %mul3A_86 = arith.muli %mul3A_85, %scan3A_58 : i32
      %add3A_87 = arith.constant 1 : i32
      %add3A_88 = arith.addi %mul3A_86, %add3A_87 : i32
      %dma_wait3A_89 = arith.constant 0 : i32
      %dma_wait3A_90 = arith.constant 0 : i32
      %dma_wait3A_91 = tpu.memref_slice %arg3[%dma_wait3A_89, %dma_wait3A_90] : memref<1000064x128xf32, #tpu.memory_space<hbm>> -> memref<128x128xf32, #tpu.memory_space<hbm>>
      %dma_wait3A_92 = arith.constant 0 : i32
      %dma_wait3A_93 = arith.constant 0 : i32
      %dma_wait3A_94 = tpu.memref_slice %arg3[%dma_wait3A_92, %dma_wait3A_93] : memref<1000064x128xf32, #tpu.memory_space<hbm>> -> memref<128x128xf32, #tpu.memory_space<hbm>>
      tpu.wait_dma2 semaphore(%arg11 : memref<!tpu.dma_semaphore, #tpu.memory_space<semaphore_mem>>) src(%dma_wait3A_94 : memref<128x128xf32, #tpu.memory_space<hbm>>) dst(%arg7 : memref<128x128xf32, #tpu.memory_space<vmem>>)
      %add3A_95 = arith.constant 1 : i32
      %add3A_96 = arith.addi %add3A_88, %add3A_95 : i32
      %lt3A_97 = arith.constant 200 : i32
      %lt3A_98 = arith.cmpi slt, %add3A_96, %lt3A_97 : i32
      %convert_element_type3A_99 = arith.extui %lt3A_98 : i1 to i32
      %cond3A_100 = arith.constant 0 : i32
      %cond3A_101 = arith.cmpi ne, %convert_element_type3A_99, %cond3A_100 : i32
      scf.if %cond3A_101 {
        %add3A_116 = arith.constant 1 : i32
        %add3A_117 = arith.addi %add3A_88, %add3A_116 : i32
        %dma_start3A_118 = arith.constant 0 : i32
        %dma_start3A_119 = tpu.memref_slice %arg5[%add3A_117, %dma_start3A_118] : memref<200x128xi32, #tpu.memory_space<vmem>> -> memref<1x128xi32, #tpu.memory_space<vmem>>
        %dma_start3A_120 = tpu.memref_squeeze %dma_start3A_119 : memref<1x128xi32, #tpu.memory_space<vmem>> -> memref<128xi32, #tpu.memory_space<vmem>>
        %dma_start3A_121 = arith.constant 0 : i32
        %dma_start3A_122 = arith.constant 0 : i32
        %dma_start3A_123 = tpu.memref_slice %arg3[%dma_start3A_121, %dma_start3A_122] : memref<1000064x128xf32, #tpu.memory_space<hbm>> -> memref<1000064x128xf32, #tpu.memory_space<hbm>>
        tpu.enqueue_indirect_dma source(%dma_start3A_123 : memref<1000064x128xf32, #tpu.memory_space<hbm>>) target(%arg6 : memref<128x128xf32, #tpu.memory_space<vmem>>) offsets(%dma_start3A_120 : memref<128xi32, #tpu.memory_space<vmem>>) semaphore(%arg10 : memref<!tpu.dma_semaphore, #tpu.memory_space<semaphore_mem>>)
      } else {
      }
      %ge3A_102 = arith.constant 2 : i32
      %ge3A_103 = arith.cmpi sge, %add3A_88, %ge3A_102 : i32
      %convert_element_type3A_104 = arith.extui %ge3A_103 : i1 to i32
      %cond3A_105 = arith.constant 0 : i32
      %cond3A_106 = arith.cmpi ne, %convert_element_type3A_104, %cond3A_105 : i32
      scf.if %cond3A_106 {
        %dma_wait3A_116 = arith.constant 0 : i32
        %dma_wait3A_117 = arith.constant 0 : i32
        %dma_wait3A_118 = tpu.memref_slice %arg4[%dma_wait3A_116, %dma_wait3A_117, %mul3A_2] : memref<200x64x4096xf32, #tpu.memory_space<hbm>> -> memref<1x64x128xf32, #tpu.memory_space<hbm>>
        %dma_wait3A_119 = tpu.memref_squeeze %dma_wait3A_118 : memref<1x64x128xf32, #tpu.memory_space<hbm>> -> memref<64x128xf32, #tpu.memory_space<hbm>>
        %dma_wait3A_120 = arith.constant 0 : i32
        %dma_wait3A_121 = tpu.memref_slice %arg4[%dma_wait3A_116, %dma_wait3A_120, %mul3A_2] : memref<200x64x4096xf32, #tpu.memory_space<hbm>> -> memref<1x64x128xf32, #tpu.memory_space<hbm>>
        %dma_wait3A_122 = tpu.memref_squeeze %dma_wait3A_121 : memref<1x64x128xf32, #tpu.memory_space<hbm>> -> memref<64x128xf32, #tpu.memory_space<hbm>>
        tpu.wait_dma2 semaphore(%arg13 : memref<!tpu.dma_semaphore, #tpu.memory_space<semaphore_mem>>) src(%arg9 : memref<64x128xf32, #tpu.memory_space<vmem>>) dst(%dma_wait3A_122 : memref<64x128xf32, #tpu.memory_space<hbm>>)
      } else {
      }
      %parallel_loop3A_107 = arith.constant 0 : i32
      %parallel_loop3A_108 = arith.constant 64 : i32
      %parallel_loop3A_109 = arith.constant 1 : i32
      scf.for %parallel_loop3A_116 = %parallel_loop3A_107 to %parallel_loop3A_108 step %parallel_loop3A_109  : i32 {
        %parallel_loop3A_117 = vector.broadcast %parallel_loop3A_116 : i32 to vector<16xi32>
        %parallel_loop3A_118 = tpu.vector_load_idx %arg7[%add3A_5, %parallel_loop3A_117] : memref<128x128xf32, #tpu.memory_space<vmem>>[vector<16xi32>, vector<16xi32>], vector<16xf32>,
        %parallel_loop3A_119 = tpu.vector_load_idx %arg7[%add3A_9, %parallel_loop3A_117] : memref<128x128xf32, #tpu.memory_space<vmem>>[vector<16xi32>, vector<16xi32>], vector<16xf32>,
        %parallel_loop3A_120 = tpu.vector_load_idx %arg7[%add3A_13, %parallel_loop3A_117] : memref<128x128xf32, #tpu.memory_space<vmem>>[vector<16xi32>, vector<16xi32>], vector<16xf32>,
        %parallel_loop3A_121 = tpu.vector_load_idx %arg7[%add3A_17, %parallel_loop3A_117] : memref<128x128xf32, #tpu.memory_space<vmem>>[vector<16xi32>, vector<16xi32>], vector<16xf32>,
        %parallel_loop3A_122 = tpu.vector_load_idx %arg7[%add3A_21, %parallel_loop3A_117] : memref<128x128xf32, #tpu.memory_space<vmem>>[vector<16xi32>, vector<16xi32>], vector<16xf32>,
        %parallel_loop3A_123 = tpu.vector_load_idx %arg7[%add3A_25, %parallel_loop3A_117] : memref<128x128xf32, #tpu.memory_space<vmem>>[vector<16xi32>, vector<16xi32>], vector<16xf32>,
        %parallel_loop3A_124 = tpu.vector_load_idx %arg7[%add3A_29, %parallel_loop3A_117] : memref<128x128xf32, #tpu.memory_space<vmem>>[vector<16xi32>, vector<16xi32>], vector<16xf32>,
        %parallel_loop3A_125 = tpu.vector_load_idx %arg7[%add3A_33, %parallel_loop3A_117] : memref<128x128xf32, #tpu.memory_space<vmem>>[vector<16xi32>, vector<16xi32>], vector<16xf32>,
        %parallel_loop3A_126 = arith.index_cast %parallel_loop3A_116 : i32 to index
        %parallel_loop3A_127 = arith.constant 0 : index
        %parallel_loop3A_128 = tpu.vector_load %arg9[%parallel_loop3A_126, %parallel_loop3A_127] {strides = array<i32>} : memref<64x128xf32, #tpu.memory_space<vmem>>, vector<16xf32>,
        tpu.vector_store %arg9[%parallel_loop3A_126, %parallel_loop3A_127], %parallel_loop3A_118 {strides = array<i32>} : memref<64x128xf32, #tpu.memory_space<vmem>>, vector<16xf32>,
        %parallel_loop3A_129 = arith.index_cast %parallel_loop3A_116 : i32 to index
        %parallel_loop3A_130 = arith.constant 16 : index
        %parallel_loop3A_131 = tpu.vector_load %arg9[%parallel_loop3A_129, %parallel_loop3A_130] {strides = array<i32>} : memref<64x128xf32, #tpu.memory_space<vmem>>, vector<16xf32>,
        tpu.vector_store %arg9[%parallel_loop3A_129, %parallel_loop3A_130], %parallel_loop3A_119 {strides = array<i32>} : memref<64x128xf32, #tpu.memory_space<vmem>>, vector<16xf32>,
        %parallel_loop3A_132 = arith.index_cast %parallel_loop3A_116 : i32 to index
        %parallel_loop3A_133 = arith.constant 32 : index
        %parallel_loop3A_134 = tpu.vector_load %arg9[%parallel_loop3A_132, %parallel_loop3A_133] {strides = array<i32>} : memref<64x128xf32, #tpu.memory_space<vmem>>, vector<16xf32>,
        tpu.vector_store %arg9[%parallel_loop3A_132, %parallel_loop3A_133], %parallel_loop3A_120 {strides = array<i32>} : memref<64x128xf32, #tpu.memory_space<vmem>>, vector<16xf32>,
        %parallel_loop3A_135 = arith.index_cast %parallel_loop3A_116 : i32 to index
        %parallel_loop3A_136 = arith.constant 48 : index
        %parallel_loop3A_137 = tpu.vector_load %arg9[%parallel_loop3A_135, %parallel_loop3A_136] {strides = array<i32>} : memref<64x128xf32, #tpu.memory_space<vmem>>, vector<16xf32>,
        tpu.vector_store %arg9[%parallel_loop3A_135, %parallel_loop3A_136], %parallel_loop3A_121 {strides = array<i32>} : memref<64x128xf32, #tpu.memory_space<vmem>>, vector<16xf32>,
        %parallel_loop3A_138 = arith.index_cast %parallel_loop3A_116 : i32 to index
        %parallel_loop3A_139 = arith.constant 64 : index
        %parallel_loop3A_140 = tpu.vector_load %arg9[%parallel_loop3A_138, %parallel_loop3A_139] {strides = array<i32>} : memref<64x128xf32, #tpu.memory_space<vmem>>, vector<16xf32>,
        tpu.vector_store %arg9[%parallel_loop3A_138, %parallel_loop3A_139], %parallel_loop3A_122 {strides = array<i32>} : memref<64x128xf32, #tpu.memory_space<vmem>>, vector<16xf32>,
        %parallel_loop3A_141 = arith.index_cast %parallel_loop3A_116 : i32 to index
        %parallel_loop3A_142 = arith.constant 80 : index
        %parallel_loop3A_143 = tpu.vector_load %arg9[%parallel_loop3A_141, %parallel_loop3A_142] {strides = array<i32>} : memref<64x128xf32, #tpu.memory_space<vmem>>, vector<16xf32>,
        tpu.vector_store %arg9[%parallel_loop3A_141, %parallel_loop3A_142], %parallel_loop3A_123 {strides = array<i32>} : memref<64x128xf32, #tpu.memory_space<vmem>>, vector<16xf32>,
        %parallel_loop3A_144 = arith.index_cast %parallel_loop3A_116 : i32 to index
        %parallel_loop3A_145 = arith.constant 96 : index
        %parallel_loop3A_146 = tpu.vector_load %arg9[%parallel_loop3A_144, %parallel_loop3A_145] {strides = array<i32>} : memref<64x128xf32, #tpu.memory_space<vmem>>, vector<16xf32>,
        tpu.vector_store %arg9[%parallel_loop3A_144, %parallel_loop3A_145], %parallel_loop3A_124 {strides = array<i32>} : memref<64x128xf32, #tpu.memory_space<vmem>>, vector<16xf32>,
        %parallel_loop3A_147 = arith.index_cast %parallel_loop3A_116 : i32 to index
        %parallel_loop3A_148 = arith.constant 112 : index
        %parallel_loop3A_149 = tpu.vector_load %arg9[%parallel_loop3A_147, %parallel_loop3A_148] {strides = array<i32>} : memref<64x128xf32, #tpu.memory_space<vmem>>, vector<16xf32>,
        tpu.vector_store %arg9[%parallel_loop3A_147, %parallel_loop3A_148], %parallel_loop3A_125 {strides = array<i32>} : memref<64x128xf32, #tpu.memory_space<vmem>>, vector<16xf32>,
      } {sc.loop_unroll_factor = 4 : i64, sc.parallel_access}
      %dma_start3A_110 = arith.constant 0 : i32
      %dma_start3A_111 = tpu.memref_slice %arg4[%add3A_88, %dma_start3A_110, %mul3A_2] : memref<200x64x4096xf32, #tpu.memory_space<hbm>> -> memref<1x64x128xf32, #tpu.memory_space<hbm>>
      %dma_start3A_112 = tpu.memref_squeeze %dma_start3A_111 : memref<1x64x128xf32, #tpu.memory_space<hbm>> -> memref<64x128xf32, #tpu.memory_space<hbm>>
      %dma_start3A_113 = arith.constant 0 : i32
      %dma_start3A_114 = tpu.memref_slice %arg4[%add3A_88, %dma_start3A_113, %mul3A_2] : memref<200x64x4096xf32, #tpu.memory_space<hbm>> -> memref<1x64x128xf32, #tpu.memory_space<hbm>>
      %dma_start3A_115 = tpu.memref_squeeze %dma_start3A_114 : memref<1x64x128xf32, #tpu.memory_space<hbm>> -> memref<64x128xf32, #tpu.memory_space<hbm>>
      tpu.enqueue_dma source(%arg9 : memref<64x128xf32, #tpu.memory_space<vmem>>) target(%dma_start3A_115 : memref<64x128xf32, #tpu.memory_space<hbm>>) target_semaphore(%arg13 : memref<!tpu.dma_semaphore, #tpu.memory_space<semaphore_mem>>)
    }
    %scan3A_44 = arith.constant 100 : i32
    %dma_wait3A = arith.constant 0 : i32
    %dma_wait3A_45 = arith.constant 0 : i32
    %dma_wait3A_46 = tpu.memref_slice %arg4[%dma_wait3A, %dma_wait3A_45, %mul3A_2] : memref<200x64x4096xf32, #tpu.memory_space<hbm>> -> memref<1x64x128xf32, #tpu.memory_space<hbm>>
    %dma_wait3A_47 = tpu.memref_squeeze %dma_wait3A_46 : memref<1x64x128xf32, #tpu.memory_space<hbm>> -> memref<64x128xf32, #tpu.memory_space<hbm>>
    %dma_wait3A_48 = arith.constant 0 : i32
    %dma_wait3A_49 = tpu.memref_slice %arg4[%dma_wait3A, %dma_wait3A_48, %mul3A_2] : memref<200x64x4096xf32, #tpu.memory_space<hbm>> -> memref<1x64x128xf32, #tpu.memory_space<hbm>>
    %dma_wait3A_50 = tpu.memref_squeeze %dma_wait3A_49 : memref<1x64x128xf32, #tpu.memory_space<hbm>> -> memref<64x128xf32, #tpu.memory_space<hbm>>
    tpu.wait_dma2 semaphore(%arg12 : memref<!tpu.dma_semaphore, #tpu.memory_space<semaphore_mem>>) src(%arg8 : memref<64x128xf32, #tpu.memory_space<vmem>>) dst(%dma_wait3A_50 : memref<64x128xf32, #tpu.memory_space<hbm>>)
    %dma_wait3A_51 = arith.constant 0 : i32
    %dma_wait3A_52 = arith.constant 0 : i32
    %dma_wait3A_53 = tpu.memref_slice %arg4[%dma_wait3A_51, %dma_wait3A_52, %mul3A_2] : memref<200x64x4096xf32, #tpu.memory_space<hbm>> -> memref<1x64x128xf32, #tpu.memory_space<hbm>>
    %dma_wait3A_54 = tpu.memref_squeeze %dma_wait3A_53 : memref<1x64x128xf32, #tpu.memory_space<hbm>> -> memref<64x128xf32, #tpu.memory_space<hbm>>
    %dma_wait3A_55 = arith.constant 0 : i32
    %dma_wait3A_56 = tpu.memref_slice %arg4[%dma_wait3A_51, %dma_wait3A_55, %mul3A_2] : memref<200x64x4096xf32, #tpu.memory_space<hbm>> -> memref<1x64x128xf32, #tpu.memory_space<hbm>>
    %dma_wait3A_57 = tpu.memref_squeeze %dma_wait3A_56 : memref<1x64x128xf32, #tpu.memory_space<hbm>> -> memref<64x128xf32, #tpu.memory_space<hbm>>
    tpu.wait_dma2 semaphore(%arg13 : memref<!tpu.dma_semaphore, #tpu.memory_space<semaphore_mem>>) src(%arg9 : memref<64x128xf32, #tpu.memory_space<vmem>>) dst(%dma_wait3A_57 : memref<64x128xf32, #tpu.memory_space<hbm>>)
    return
  }
}

</mosaic_0001>

<sc_bundles>
// kernel: kernel.4.cloned.1.call-start
scs
__scs_entry_jumppad:
0x0: {  	(pc) =	sbr.rel $0x88, $3  }
0x1: {  	(tag) =	ssettag $0x0;
	lr =	simm.s32 $0x1  }
0x2: {  	[smem:$0x3F9F] =	sst lr;
	_ =	strace $0xD0000000  }
0x3: {  	_ = 	snop  }
0x4: {  	_ = 	snop  }
0x5: {  	_ = 	snop  }
0x6: {  	_ = 	snop  }
0x7: {  	_ = 	snop  }
__scs_overlays_trampoline_lowered:
0x8: {  	[smem:$0x3FAE] =	sst s0  }
0x9: {  	[smem:$0x3FAF] =	sst s1  }
0xa: {  	[smem:$0x3FB0] =	sst s2  }
0xb: {  	[smem:$0x3FB1] =	sst s3  }
0xc: {  	[smem:$0x3FB2] =	sst s4  }
0xd: {  	[smem:$0x3FB3] =	sst s5  }
0xe: {  	[smem:$0x3FB4] =	sst s6  }
0xf: {  	[smem:$0x3FB5] =	sst s7  }
0x10: {  	[smem:$0x3FB6] =	sst s8  }
0x11: {  	[smem:$0x3FB7] =	sst s9;
	s0 =	simm.s32 @!p0 $0x0  }
0x12: {  	s1 =	sld [smem:$0x3F9D];
	s0 =	simm.s32 @p0 $0x1  }
0x13: {  	[smem:$0x3FB8] =	sst s0;
	s0 =	simm.s32 @!p1 $0x0  }
0x14: {  	s2 =	sld [smem:$0x3F9C];
	s0 =	simm.s32 @p1 $0x1  }
0x15: {  	[smem:$0x3FB9] =	sst s0;
	s0 =	simm.s32 @!p2 $0x0  }
0x16: {  	s3 =	sld [smem:$0x3FDB];
	s0 =	simm.s32 @p2 $0x1  }
0x17: {  	s4 =	simm.s32 $0x1BF5;
	[smem:$0x3FBB] =	sst s0  }
0x18: {  	s0 =	sld [smem:$0x3F9E];
	_ =	swait.ge [sflag:s4], $0x0  }
0x19: {  	s7 =	sld [smem:$0x3F9F]  }
0x1a: {  	s8 =	sadd.s32 $0xFFFFE003, lr  }
0x1b: {  	s9 =	sadd.s32 $0xFFFFFEF7, lr;
	s5 =	simm.s32 $0xFFFFFFFF;
	p2 =	slt.u32 s8, $0xFFFFF086  }
0x1c: {  	p1 =	slt.u32 s9, $0xF7A;
	s5 =	simm.s32 @!p2 $0x0  }
0x1d: {  	s5 =	simm.s32 @p1 $0x1;
	p0 =	seq.s32 s7, s2  }
0x1e: {  	s7 =	smul.u32 @!p0 $0xF7A, s2;
	p2 =	seq.s32 @!p0 s5, $0x0  }
0x1f: {  	s9 =	smul.u32 $0xF7A, s1;
	s8 =	simm.s32 @!p0 $0x1BF5;
	p2 =	por !p2, p0  }
0x20: {  	[sflag:s8] =	ssyncset.s32 @!p0 $0xFFFFF086;
	s6 =	sadd.s32 @!p0 s3, s7;
	s7 =	simm.s32 @!p0 $0x108  }
0x21: {  	s3 =	sadd.s32 s3, s9;
	s6 =	sadd.s32 @!p0 $0x88, s6;
	s7 =	simm.s32 @p2 $0x1082  }
0x22: {  	[simem:s7], [sflag:s8] =	dma.local @!p0 [hbm:s6], $0xF7A  }
0x23: {  	s9 =	sor.u32 $0xD0000000, s2;
	s6 =	simm.s32 $0x108;
	_ =	swait.ge @!p0 [sflag:s8], $0x0  }
0x24: {  	s3 =	sadd.s32 $0x88, s3;
	s6 =	simm.s32 @!p1 $0x1082;
	[sflag:s4] =	ssyncset.s32 $0xFFFFF086  }
0x25: {  	[simem:s6], [sflag:s4] =	dma.local [hbm:s3], $0xF7A  }
0x26: {  	[smem:$0x3F9F] =	sst s1;
	(tag) =	ssettag s2;
	_ =	strace s9  }
0x27: {  	s1 =	sld [smem:$0x3FAF]  }
0x28: {  	s2 =	sld [smem:$0x3FB0]  }
0x29: {  	s4 =	sld [smem:$0x3FB2]  }
0x2a: {  	p0 =	seq.s32 s5, $0x0;
	s5 =	sld [smem:$0x3FB3]  }
0x2b: {  	s6 =	sld [smem:$0x3FB4]  }
0x2c: {  	s7 =	sld [smem:$0x3FB5]  }
0x2d: {  	s3 =	simm.s32 $0x108;
	s8 =	sld [smem:$0x3FB6]  }
0x2e: {  	s3 =	simm.s32 @!p0 $0x1082;
	s9 =	sld [smem:$0x3FB7]  }
0x2f: {  	lr =	sadd.s32 s0, s3;
	s0 =	sld [smem:$0x3FAE]  }
0x30: {  	s3 =	sld [smem:$0x3FB1]  }
0x31: {  	[smem:$0x3FBA] =	sst s10  }
0x32: {  	s10 =	sld [smem:$0x3FB8];
	_ =	sdelay $0x3  }
0x33: {  	p0 =	seq.s32 s10, $0x1;
	s10 =	sld [smem:$0x3FBA];
	_ =	sdelay $0x3  }
0x34: {  	[smem:$0x3FBA] =	sst s10  }
0x35: {  	s10 =	sld [smem:$0x3FB9];
	_ =	sdelay $0x3  }
0x36: {  	p1 =	seq.s32 s10, $0x1;
	s10 =	sld [smem:$0x3FBA];
	_ =	sdelay $0x3  }
0x37: {  	[smem:$0x3FBA] =	sst s10  }
0x38: {  	s10 =	sld [smem:$0x3FBB]  }
0x39: {  	_ = 	snop;
	(pc) =	sbr.ind lr, $3  }
0x3a: {  	_ = 	snop  }
0x3b: {  	_ = 	snop  }
0x3c: {  	p2 =	seq.s32 s10, $0x1;
	s10 =	sld [smem:$0x3FBA]  }
0x3d: {  	_ =	shalt  }
0x3e: {  	_ =	shalt  }
0x3f: {  	_ =	shalt  }
0x40: {  	_ =	shalt  }
0x41: {  	_ =	shalt  }
0x42: {  	_ =	shalt  }
0x43: {  	_ =	shalt  }
0x44: {  	_ =	shalt  }
0x45: {  	_ =	shalt  }
0x46: {  	_ =	shalt  }
0x47: {  	_ =	shalt  }
0x48: {  	_ =	shalt  }
0x49: {  	_ =	shalt  }
0x4a: {  	_ =	shalt  }
0x4b: {  	_ =	shalt  }
0x4c: {  	_ =	shalt  }
0x4d: {  	_ =	shalt  }
0x4e: {  	_ =	shalt  }
0x4f: {  	_ =	shalt  }
0x50: {  	_ =	shalt  }
0x51: {  	_ =	shalt  }
0x52: {  	_ =	shalt  }
0x53: {  	_ =	shalt  }
0x54: {  	_ =	shalt  }
0x55: {  	_ =	shalt  }
0x56: {  	_ =	shalt  }
0x57: {  	_ =	shalt  }
0x58: {  	_ =	shalt  }
0x59: {  	_ =	shalt  }
0x5a: {  	_ =	shalt  }
0x5b: {  	_ =	shalt  }
0x5c: {  	_ =	shalt  }
0x5d: {  	_ =	shalt  }
0x5e: {  	_ =	shalt  }
0x5f: {  	_ =	shalt  }
0x60: {  	_ =	shalt  }
0x61: {  	_ =	shalt  }
0x62: {  	_ =	shalt  }
0x63: {  	_ =	shalt  }
0x64: {  	_ =	shalt  }
0x65: {  	_ =	shalt  }
0x66: {  	_ =	shalt  }
0x67: {  	_ =	shalt  }
0x68: {  	_ =	shalt  }
0x69: {  	_ =	shalt  }
0x6a: {  	_ =	shalt  }
0x6b: {  	_ =	shalt  }
0x6c: {  	_ =	shalt  }
0x6d: {  	_ =	shalt  }
0x6e: {  	_ =	shalt  }
0x6f: {  	_ =	shalt  }
0x70: {  	_ =	shalt  }
0x71: {  	_ =	shalt  }
0x72: {  	_ =	shalt  }
0x73: {  	_ =	shalt  }
0x74: {  	_ =	shalt  }
0x75: {  	_ =	shalt  }
0x76: {  	_ =	shalt  }
0x77: {  	_ =	shalt  }
0x78: {  	_ =	shalt  }
0x79: {  	_ =	shalt  }
0x7a: {  	_ =	shalt  }
0x7b: {  	_ =	shalt  }
0x7c: {  	_ =	shalt  }
0x7d: {  	_ =	shalt  }
0x7e: {  	_ =	shalt  }
0x7f: {  	_ =	shalt  }
0x80: {  	_ =	shalt  }
0x81: {  	_ =	shalt  }
0x82: {  	_ =	shalt  }
0x83: {  	_ =	shalt  }
0x84: {  	_ =	shalt  }
0x85: {  	_ =	shalt  }
0x86: {  	_ =	shalt  }
0x87: {  	_ =	shalt  }
.Lfunc_end0:
.L_simem_size_0:
called_computation_lowered:
.L_overlay_start_0:
0x88: {  	s2 =	sld [smem:$0x3FD9]  }
0x89: {  	s3 =	sld [smem:$0x3FFE];
	_ =	sdelay $0x1  }
0x8a: {  	s1 =	srdreg.scid  }
0x8b: {  	s0 =	sand.u32 $0x1, s1  }
0x8c: {  	s17 =	sshll.u32 s0, $0xA;
	s2 =	sadd.s32 s3, s2  }
0x8d: {  	s2 =	sadd.s32 s2, s17  }
0x8e: {  	[smem:$0x3FC6] =	sst s2  }
0x8f: {  	_ = 	snop  }
0x90: {  	s2 =	sld [smem:$0x3FC8];
	(tm) =	ssettm $0x1  }
0x91: {  	s18 =	sld [smem:$0x3FFB];
	_ =	sdelay $0x3  }
0x92: {  	_ =	strace s18  }
0x93: {  	s3 =	sld [smem:$0x3FFC];
	_ =	sdelay $0x3  }
0x94: {  	_ =	strace s3  }
0x95: {  	s3 =	sld [smem:$0x3FFD];
	_ =	sdelay $0x3  }
0x96: {  	_ =	strace s3  }
0x97: {  	_ =	strace $0x8FFFFFFF  }
0x98: {  	s19 =	sld [smem:$0x3FDB];
	_ =	sdelay $0x1  }
0x99: {  	s4 =	simm.s32 $_scs_section_size  }
0x9a: {  	s5 =	simm.s32 $_size__tile_overlayer_lowered;
	s6 =	simm.s32 $_tile_overlayer_lowered  }
0x9b: {  	s22 =	simm.s32 $0x1BFF;
	s21 =	sshll.u32 s6, $0x1;
	s3 =	sadd.s32 s4, s19  }
0x9c: {  	s7 =	simm.s32 $0x0;
	s20 =	sshll.u32 s5, $0x1;
	s5 =	sadd.s32 s21, s3  }
0x9d: {  	[timem:s7], [sflag:s22] =	dma.local [hbm:s5], s20  }
0x9e: {  	_ =	swait.ge [sflag:s22], s20  }
0x9f: {  	s4 =	ssub.s32 $0x0, s20;
	[sflag:s22] =	ssyncset.done $0x0  }
0xa0: {  	[sflag:s22] =	ssyncadd.s32 s4;
	_ =	sdelay $0x1  }
0xa1: {  	s23 =	simm.s32 $0x1B8B  }
0xa2: {  	_ =	swait.ge [sflag:s23], $0x1  }
0xa3: {  	[sflag:s23] =	ssyncset.done $0x0  }
0xa4: {  	s25 =	simm.s32 $0x1B8E;
	s24 =	sld [smem:$0x3FFE];
	[sflag:s23] =	ssyncadd.s32 $0xFFFFFFFF  }
0xa5: {  	s26 =	simm.s32 $execute0_lowered;
	[smem:$0x3FD2] =	sst s25  }
0xa6: {  	s5 =	sshll.u32 s26, $0x1;
	_ =	strace $0x80000046;
	[dreg:$0x1] =	wrdreg $0xFFFFFFFF  }
0xa7: {  	s28 =	simm.s32 $_size_execute0_lowered;
	s3 =	sadd.s32 s3, s5;
	[dreg:$0x0] =	wrdreg $0x0  }
0xa8: {  	s5 =	sshll.u32 s28, $0x1;
	[dreg:$0x2] =	wrdreg s3  }
0xa9: {  	[dreg:$0x3] =	wrdreg s5  }
0xaa: {  	[dreg:$0x4] =	wrdreg $0xC0  }
0xab: {  	_ =	task [dreg:s7], $0x5FFFF  }
0xac: {  	[dreg:$0x1] =	wrdreg $0xFFFFFFFF  }
0xad: {  	[dreg:$0x0] =	wrdreg $0x60  }
0xae: {  	[dreg:$0x2] =	wrdreg s2  }
0xaf: {  	[dreg:$0x3] =	wrdreg s24  }
0xb0: {  	[dreg:$0x4] =	wrdreg $0x9  }
0xb1: {  	_ =	task.clear_ibuf [dreg:s7], $0x5FFFF;
	_ =	strace $0x90000046  }
0xb2: {  	s29 =	simm.s32 $0x9;
	_ =	strace $0x80000048  }
0xb3: {  	_ =	swait.ge [sflag:s29], $0x1  }
0xb4: {  	[sflag:s29] =	ssyncadd.s32 $0xFFFFFFFF  }
0xb5: {  	_ =	strace $0x90000048  }
0xb6: {  	_ =	sfence  }
0xb7: {  	s30 =	sld [smem:$0x0];
	_ =	sdelay $0x2  }
0xb8: {  	s31 =	sshll.u32 s1, $0xD;
	s1 =	sshrl.u32 s1, $0x2  }
0xb9: {  	s3 =	sand.u32 $0x4000, s31;
	s1 =	sadd.s32 s1, s30  }
0xba: {  	s0 =	sor.u32 s3, s0;
	s1 =	sshll.u32 s1, $0x11  }
0xbb: {  	s0 =	sor.u32 s1, s0  }
0xbc: {  	s0 =	sadd.s32 $0x8F2B, s0  }
0xbd: {  	[sflag:s0] =	ssyncadd.remote.s32 $0x1  }
0xbe: {  	_ =	sfence.sel $0xFFFF  }
0xbf: {  	[dreg:$0x0] =	wrdreg $0xFFFFFFFF;
	(pc) =	sbr.abs _section_cstart, $3  }
0xc0: {  	[dreg:$0x1] =	wrdreg $0xFFFFFFFF  }
0xc1: {  	_ =	task.clear_ibuf [dreg:s7], $0x2FFFF;
	_ =	strace $0x9FFFFFFF  }
0xc2: {  	(tm) =	ssettm $0x7FFFFFFF  }
0xc3: {  	_ =	shalt  }
tec
execute0_lowered:
.L_overlay_start_1:
0x0: {  	(tag) =	ssettag $0x1  }
0x1: {  	s2 =	rddreg [dreg:$0x0];
	s1 =	srdreg.scid  }
0x2: {  	s0 =	stileid.u32;
	s5 =	rddreg [dreg:$0x1]  }
0x3: {  	s3 =	simm.s32 $0x0;
	s10 =	simm.s32 $0x7A1400;
	s11 =	simm.s32 $0x3  }
0x4: {  	s12 =	simm.s32 $0x4000;
	s13 =	simm.s32 $0x8000;
	s14 =	simm.s32 $0x4  }
0x5: {  	v0 =	vlaneseq.u32;
	s15 =	simm.s32 $0x0;
	s4 =	sand.u32 $0x1, s1;
	s6 =	sshll.u32 s0, $0x1  }
.Ltmp0:
0x6: {  	s1 =	rddreg [dreg:$0x2];
	v0 =	vmul.u32 $0x80, v0;
	s6 =	sor.u32 s4, s6;
	(pc) =	sbr.rel .LBB2_1-.Ltmp0, $4  }
0x7: {  	[smem:$0x7FF] =	sst s3;
	s7 =	ssub.s32 $0x2, s4;
	s8 =	smul.u32 $0x7A80, s6  }
0x8: {  	s5 =	sadd.s32 $0x800, s5;
	s9 =	sshrl.u32 s7, $0x1;
	s4 =	smul.u32 $0xF5, s6;
	v1 =	vor.u32 $0x800, v0  }
0x9: {  	_ =	strace $0x80000047;
	v2 =	vor.u32 $0x1000, v0;
	v3 =	vor.u32 $0x1800, v0;
	v4 =	vor.u32 $0x2000, v0;
	s9 =	ssub.s32 s7, s9;
	s6 =	sadd.s32 s2, s8  }
0xa: {  	v5 =	vor.u32 $0x2800, v0;
	v6 =	vor.u32 $0x3000, v0;
	v7 =	vor.u32 $0x3800, v0;
	s7 =	sadd.s32 $0x2, s4;
	s8 =	smax.u32 s9, $0x1;
	s9 =	simm.s32 $0x400  }
.LBB2_13:
0xb: {  	s15 =	sadd.s32 $0x1, s15  }
0xc: {  	_ =	swait.ge [sflag:s11], $0x4000;
	p0 =	sne.s32 s15, s8  }
.Ltmp1:
0xd: {  	[sflag:s11] =	ssyncset.done $0x0;
	(pc) =	sbr.rel @!p0 .LBB2_14-.Ltmp1, $4  }
0xe: {  	[sflag:s11] =	ssyncadd.s32 $0xFFFFC000  }
0xf: {  	_ =	swait.ge [sflag:s14], $0x4000  }
0x10: {  	[sflag:s14] =	ssyncset.done $0x0  }
0x11: {  	[sflag:s14] =	ssyncadd.s32 $0xFFFFC000  }
.LBB2_1:
.Ltmp2:
0x12: {  	(pc) =	sbr.rel .LBB2_2-.Ltmp2, $3  }
0x13: {  	_ =	sdelay $0x1  }
0x14: {  	[tilespmem:s3], [sflag:$0x1] =	stream.strided.gather [hbm4b:s6+s9], $0x2000, s10, s9, $0x38;
	[tilespmem:$0xC000] =	vst v63  }
0x15: {  	s16 =	simm.s32 $0x0  }
.LBB2_12:
0x16: {  	s16 =	sadd.s32 $0x1, s16  }
0x17: {  	p0 =	sne.s32 s16, $0x7B  }
.Ltmp3:
0x18: {  	_ = 	snop;
	(pc) =	sbr.rel @!p0 .LBB2_13-.Ltmp3, $1  }
0x19: {  	_ =	sdelay $0x3  }
.LBB2_2:
0x1a: {  	s18 =	sshll.u32 s16, $0x1  }
0x1b: {  	s20 =	sor.u32 $0x1, s18  }
0x1c: {  	s17 =	sadd.s32 s4, s20  }
0x1d: {  	p0 =	slt.u32 s20, $0xF5;
	p1 =	slt.u32 s17, $0x1E85  }
0x1e: {  	s19 =	sadd.s32 s4, s18;
	p0 =	por !p0, !p1;
	p1 =	seq.s32 s16, $0x0  }
0x1f: {  	p2 =	sgt.u32 s19, $0x1E84;
	p3 =	sgt.u32 @!p1 s19, $0x1E84  }
0x20: {  	s20 =	simm.s32 @!p2 $0x1;
	p3 =	por p1, p3  }
.Ltmp4:
0x21: {  	_ =	swait.ge @!p2 [sflag:s20], $0x2000;
	(pc) =	sbr.rel @p3 .LBB2_4-.Ltmp4, $4  }
0x22: {  	p0 =	por !p0, !p0;
	[sflag:s20] =	ssyncset.done @!p2 $0x0  }
0x23: {  	s21 =	sshll.u32 @p0 s17, $0x7;
	[sflag:s20] =	ssyncadd.s32 @!p2 $0xFFFFE000;
	s22 =	simm.s32 @p0 $0x7A1400  }
0x24: {  	s23 =	simm.s32 @p0 $0x2000;
	s20 =	sadd.s32 @p0 s2, s21;
	s21 =	simm.s32 @p0 $0x400  }
0x25: {  	[tilespmem:s23], [sflag:$0x2] =	stream.strided.gather @p0 [hbm4b:s20+s21], $0x2000, s22, s21, $0x38;
	[tilespmem:$0xC000] =	vst v63  }
0x26: {  	_ =	swait.ge [sflag:s11], $0x4000  }
0x27: {  	[sflag:s11] =	ssyncset.done $0x0  }
0x28: {  	[sflag:s11] =	ssyncadd.s32 $0xFFFFC000  }
.LBB2_5:
0x29: {  	s21 =	simm.s32 $0x3  }
0x2a: {  	v8 =	vmov s21  }
0x2b: {  	s20 =	simm.s32 $0x100;
	v8 =	vand.u32 $0x7F, v8  }
0x2c: {  	v9 =	vld [tilespmem:s20+$0x80];
	v8 =	vbroadcast v8, $0x0  }
0x2d: {  	v10 =	vld [tilespmem:s20+$0x90]  }
0x2e: {  	v11 =	vld [tilespmem:s20+$0xA0];
	v12 =	vor.u32 v0, v8  }
0x2f: {  	v13 =	vld [tilespmem:s20+$0xB0];
	v14 =	vor.u32 v1, v8  }
0x30: {  	v15 =	vld [tilespmem:s20+$0xC0];
	v16 =	vor.u32 v2, v8  }
0x31: {  	s28 =	simm.s32 $0x0;
	v17 =	vld [tilespmem:s20+$0xD0];
	v18 =	vor.u32 v3, v8  }
0x32: {  	v19 =	vld [tilespmem:s20+$0xE0];
	v20 =	vmov s28;
	v21 =	vor.u32 v4, v8  }
0x33: {  	v22 =	vld [tilespmem:s20+$0xF0];
	v20 =	vand.u32 $0x7C, v20;
	[tilespmem:v12+s12+$0x0] =	vst.idx.msk $0xffff, v9;
	v9 =	vor.u32 v5, v8  }
0x34: {  	v20 =	vbroadcast v20, $0x0;
	v12 =	vld [tilespmem:s20+$0xFFFFFF00];
	[tilespmem:v14+s12+$0x0] =	vst.idx.msk $0xffff, v10;
	v10 =	vor.u32 v6, v8  }
0x35: {  	v14 =	vld [tilespmem:s20+$0xFFFFFF10];
	v8 =	vor.u32 v7, v8;
	[tilespmem:v16+s12+$0x0] =	vst.idx.msk $0xffff, v11  }
0x36: {  	v11 =	vld [tilespmem:s20+$0xFFFFFF20];
	v16 =	vor.u32 v0, v20;
	[tilespmem:v18+s12+$0x0] =	vst.idx.msk $0xffff, v13  }
0x37: {  	v13 =	vld [tilespmem:s20+$0xFFFFFF30];
	v18 =	vor.u32 v1, v20;
	[tilespmem:v21+s12+$0x0] =	vst.idx.msk $0xffff, v15  }
0x38: {  	v15 =	vld [tilespmem:s20+$0xFFFFFF40];
	v21 =	vor.u32 v2, v20;
	[tilespmem:v9+s12+$0x0] =	vst.idx.msk $0xffff, v17  }
0x39: {  	s29 =	simm.s32 $0x1;
	v9 =	vld [tilespmem:s20+$0xFFFFFF50];
	v17 =	vor.u32 v3, v20;
	[tilespmem:v10+s12+$0x0] =	vst.idx.msk $0xffff, v19  }
0x3a: {  	v23 =	vmov s29;
	v10 =	vld [tilespmem:s20+$0xFFFFFF60];
	v19 =	vor.u32 v4, v20;
	[tilespmem:v8+s12+$0x0] =	vst.idx.msk $0xffff, v22  }
0x3b: {  	v8 =	vld [tilespmem:s20+$0xFFFFFF70];
	[tilespmem:v16+s12+$0x0] =	vst.idx.msk $0xffff, v12;
	v12 =	vor.u32 v5, v20;
	v16 =	vand.u32 $0x7D, v23  }
0x3c: {  	v22 =	vld [tilespmem:s20+$0xFFFFFF80];
	[tilespmem:v18+s12+$0x0] =	vst.idx.msk $0xffff, v14;
	v14 =	vor.u32 v6, v20;
	v16 =	vbroadcast v16, $0x0  }
0x3d: {  	v18 =	vld [tilespmem:s20+$0xFFFFFF90];
	[tilespmem:v21+s12+$0x0] =	vst.idx.msk $0xffff, v11;
	v11 =	vor.u32 v7, v20  }
0x3e: {  	v20 =	vld [tilespmem:s20+$0xFFFFFFA0];
	[tilespmem:v17+s12+$0x0] =	vst.idx.msk $0xffff, v13;
	v13 =	vor.u32 v0, v16  }
0x3f: {  	v21 =	vld [tilespmem:s20+$0xFFFFFFF0];
	[tilespmem:v19+s12+$0x0] =	vst.idx.msk $0xffff, v15;
	v15 =	vor.u32 v1, v16  }
0x40: {  	v17 =	vld [tilespmem:s20+$0xFFFFFFB0];
	[tilespmem:v12+s12+$0x0] =	vst.idx.msk $0xffff, v9;
	v9 =	vor.u32 v2, v16  }
0x41: {  	s30 =	simm.s32 $0x2;
	v19 =	vld [tilespmem:s20+$0xFFFFFFC0];
	[tilespmem:v14+s12+$0x0] =	vst.idx.msk $0xffff, v10;
	v10 =	vor.u32 v3, v16  }
0x42: {  	v12 =	vld [tilespmem:s20+$0xFFFFFFD0];
	[tilespmem:v11+s12+$0x0] =	vst.idx.msk $0xffff, v8;
	v8 =	vor.u32 v4, v16;
	v11 =	vmov s30  }
0x43: {  	v14 =	vld [tilespmem:s20+$0xFFFFFFE0];
	[tilespmem:v13+s12+$0x0] =	vst.idx.msk $0xffff, v22;
	v13 =	vor.u32 v5, v16;
	v11 =	vand.u32 $0x7E, v11  }
0x44: {  	v24 =	vld [tilespmem:s20+$0x40];
	[tilespmem:v15+s12+$0x0] =	vst.idx.msk $0xffff, v18;
	v15 =	vor.u32 v6, v16;
	v11 =	vbroadcast v11, $0x0  }
0x45: {  	v25 =	vld [tilespmem:s20+$0x50];
	[tilespmem:v9+s12+$0x0] =	vst.idx.msk $0xffff, v20;
	v9 =	vor.u32 v7, v16  }
0x46: {  	v22 =	vld [tilespmem:s20+$0x0];
	[tilespmem:v10+s12+$0x0] =	vst.idx.msk $0xffff, v17;
	v17 =	vor.u32 v0, v11  }
0x47: {  	v18 =	vld [tilespmem:s20+$0x10];
	[tilespmem:v8+s12+$0x0] =	vst.idx.msk $0xffff, v19;
	v8 =	vor.u32 v1, v11  }
0x48: {  	v16 =	vld [tilespmem:s20+$0x20];
	[tilespmem:v13+s12+$0x0] =	vst.idx.msk $0xffff, v12;
	v13 =	vor.u32 v2, v11  }
0x49: {  	s31 =	simm.s32 $0x7;
	v23 =	vld [tilespmem:s20+$0x30];
	[tilespmem:v15+s12+$0x0] =	vst.idx.msk $0xffff, v14;
	v14 =	vor.u32 v3, v11  }
0x4a: {  	v10 =	vld [tilespmem:s20+$0x60];
	v12 =	vmov s31;
	[tilespmem:v9+s12+$0x0] =	vst.idx.msk $0xffff, v21;
	v21 =	vor.u32 v4, v11  }
0x4b: {  	v12 =	vand.u32 $0x7F, v12;
	v9 =	vld [tilespmem:s20+$0x70];
	s20 =	simm.s32 $0x300;
	[tilespmem:v17+s12+$0x0] =	vst.idx.msk $0xffff, v22;
	v22 =	vor.u32 v5, v11  }
0x4c: {  	v20 =	vor.u32 v6, v11;
	v15 =	vld [tilespmem:s20+$0x80];
	[tilespmem:v8+s12+$0x0] =	vst.idx.msk $0xffff, v18;
	v8 =	vbroadcast v12, $0x0  }
0x4d: {  	v19 =	vor.u32 v7, v11;
	v11 =	vld [tilespmem:s20+$0xB0];
	[tilespmem:v13+s12+$0x0] =	vst.idx.msk $0xffff, v16  }
0x4e: {  	v12 =	vld [tilespmem:s20+$0x90];
	[tilespmem:v14+s12+$0x0] =	vst.idx.msk $0xffff, v23;
	v18 =	vor.u32 v0, v8  }
0x4f: {  	v13 =	vld [tilespmem:s20+$0xA0];
	v17 =	vor.u32 v1, v8;
	[tilespmem:v21+s12+$0x0] =	vst.idx.msk $0xffff, v24  }
0x50: {  	s22 =	simm.s32 $0x8;
	s21 =	simm.s32 $0x4;
	v14 =	vld [tilespmem:s20+$0xC0];
	v16 =	vor.u32 v2, v8;
	[tilespmem:v22+s12+$0x0] =	vst.idx.msk $0xffff, v25  }
.LBB2_6:
0x51: {  	p2 =	slt.u32 s22, $0x3C;
	v21 =	vld [tilespmem:s20+$0xD0];
	v22 =	vor.u32 v3, v8;
	[tilespmem:v20+s12+$0x0] =	vst.idx.msk $0xffff, v10  }
0x52: {  	v10 =	vmov s21;
	v23 =	vor.u32 v4, v8;
	v20 =	vld [tilespmem:s20+$0xE0];
	[tilespmem:v19+s12+$0x0] =	vst.idx.msk $0xffff, v9  }
0x53: {  	v9 =	vand.u32 $0x7C, v10;
	v10 =	vld [tilespmem:s20+$0xF0];
	[tilespmem:v18+s12+$0x0] =	vst.idx.msk $0xffff, v15;
	v15 =	vor.u32 v5, v8  }
0x54: {  	v9 =	vbroadcast v9, $0x0;
	v18 =	vld [tilespmem:s20+$0xFFFFFF00];
	[tilespmem:v17+s12+$0x0] =	vst.idx.msk $0xffff, v12;
	v12 =	vor.u32 v6, v8  }
0x55: {  	v8 =	vor.u32 v7, v8;
	v17 =	vld [tilespmem:s20+$0xFFFFFF10];
	[tilespmem:v16+s12+$0x0] =	vst.idx.msk $0xffff, v13  }
0x56: {  	v16 =	vor.u32 v0, v9;
	v13 =	vld [tilespmem:s20+$0xFFFFFF20];
	[tilespmem:v22+s12+$0x0] =	vst.idx.msk $0xffff, v11  }
0x57: {  	v19 =	vor.u32 v1, v9;
	v11 =	vld [tilespmem:s20+$0xFFFFFF30];
	[tilespmem:v23+s12+$0x0] =	vst.idx.msk $0xffff, v14  }
0x58: {  	v22 =	vor.u32 v2, v9;
	v14 =	vld [tilespmem:s20+$0xFFFFFF40];
	[tilespmem:v15+s12+$0x0] =	vst.idx.msk $0xffff, v21  }
0x59: {  	s23 =	sadd.s32 $0x1, s21;
	v21 =	vor.u32 v3, v9;
	v15 =	vld [tilespmem:s20+$0xFFFFFF50];
	[tilespmem:v12+s12+$0x0] =	vst.idx.msk $0xffff, v20  }
0x5a: {  	v23 =	vmov s23;
	v20 =	vor.u32 v4, v9;
	v12 =	vld [tilespmem:s20+$0xFFFFFF60];
	[tilespmem:v8+s12+$0x0] =	vst.idx.msk $0xffff, v10  }
0x5b: {  	v10 =	vor.u32 v5, v9;
	v8 =	vld [tilespmem:s20+$0xFFFFFF70];
	[tilespmem:v16+s12+$0x0] =	vst.idx.msk $0xffff, v18;
	v16 =	vand.u32 $0x7D, v23  }
0x5c: {  	[tilespmem:v19+s12+$0x0] =	vst.idx.msk $0xffff, v17;
	v17 =	vor.u32 v6, v9;
	v18 =	vld [tilespmem:s20+$0xFFFFFF80];
	v16 =	vbroadcast v16, $0x0  }
0x5d: {  	v9 =	vor.u32 v7, v9;
	[tilespmem:v22+s12+$0x0] =	vst.idx.msk $0xffff, v13;
	v13 =	vld [tilespmem:s20+$0xFFFFFF90]  }
0x5e: {  	[tilespmem:v21+s12+$0x0] =	vst.idx.msk $0xffff, v11;
	v11 =	vld [tilespmem:s20+$0xFFFFFFA0];
	v19 =	vor.u32 v0, v16  }
0x5f: {  	[tilespmem:v20+s12+$0x0] =	vst.idx.msk $0xffff, v14;
	v14 =	vld [tilespmem:s20+$0xFFFFFFB0];
	v20 =	vor.u32 v1, v16  }
0x60: {  	[tilespmem:v10+s12+$0x0] =	vst.idx.msk $0xffff, v15;
	v10 =	vld [tilespmem:s20+$0xFFFFFFC0];
	v15 =	vor.u32 v2, v16  }
0x61: {  	s23 =	sadd.s32 $0x2, s21;
	s21 =	smov.u32 s22;
	[tilespmem:v17+s12+$0x0] =	vst.idx.msk $0xffff, v12;
	v12 =	vld [tilespmem:s20+$0xFFFFFFD0];
	v17 =	vor.u32 v3, v16  }
0x62: {  	v21 =	vmov s23;
	[tilespmem:v9+s12+$0x0] =	vst.idx.msk $0xffff, v8;
	v8 =	vld [tilespmem:s20+$0xFFFFFFE0];
	v9 =	vor.u32 v4, v16  }
0x63: {  	v22 =	vld [tilespmem:s20+$0xFFFFFFF0];
	[tilespmem:v19+s12+$0x0] =	vst.idx.msk $0xffff, v18;
	v18 =	vor.u32 v5, v16;
	v19 =	vand.u32 $0x7E, v21  }
0x64: {  	[tilespmem:v20+s12+$0x0] =	vst.idx.msk $0xffff, v13;
	v13 =	vor.u32 v6, v16;
	v20 =	vld [tilespmem:s20+$0x0];
	v19 =	vbroadcast v19, $0x0  }
0x65: {  	[tilespmem:v15+s12+$0x0] =	vst.idx.msk $0xffff, v11;
	v11 =	vor.u32 v7, v16;
	v16 =	vld [tilespmem:s20+$0x10]  }
0x66: {  	[tilespmem:v17+s12+$0x0] =	vst.idx.msk $0xffff, v14;
	v14 =	vld [tilespmem:s20+$0x20];
	v15 =	vor.u32 v0, v19  }
0x67: {  	v21 =	vor.u32 v1, v19;
	[tilespmem:v9+s12+$0x0] =	vst.idx.msk $0xffff, v10;
	v17 =	vld [tilespmem:s20+$0x30]  }
0x68: {  	[tilespmem:v18+s12+$0x0] =	vst.idx.msk $0xffff, v12;
	v23 =	vld [tilespmem:s20+$0x40];
	v18 =	vor.u32 v2, v19  }
0x69: {  	s23 =	sadd.s32 $0x3, s22;
	v25 =	vor.u32 v3, v19;
	[tilespmem:v13+s12+$0x0] =	vst.idx.msk $0xffff, v8;
	v24 =	vld [tilespmem:s20+$0x50]  }
0x6a: {  	v8 =	vmov s23;
	[tilespmem:v11+s12+$0x0] =	vst.idx.msk $0xffff, v22;
	v10 =	vld [tilespmem:s20+$0x60];
	v22 =	vor.u32 v4, v19  }
0x6b: {  	v26 =	vor.u32 v5, v19;
	v8 =	vand.u32 $0x7F, v8;
	v9 =	vld [tilespmem:s20+$0x70];
	[tilespmem:v15+s12+$0x0] =	vst.idx.msk $0xffff, v20;
	s20 =	sadd.s32 $0x200, s20  }
.Ltmp5:
0x6c: {  	v8 =	vbroadcast v8, $0x0;
	v20 =	vor.u32 v6, v19;
	v15 =	vld [tilespmem:s20+$0x80];
	[tilespmem:v21+s12+$0x0] =	vst.idx.msk $0xffff, v16;
	(pc) =	sbr.rel @p2 .LBB2_6-.Ltmp5, $4  }
0x6d: {  	v19 =	vor.u32 v7, v19;
	v12 =	vld [tilespmem:s20+$0x90];
	[tilespmem:v18+s12+$0x0] =	vst.idx.msk $0xffff, v14  }
0x6e: {  	v18 =	vor.u32 v0, v8;
	v13 =	vld [tilespmem:s20+$0xA0];
	[tilespmem:v25+s12+$0x0] =	vst.idx.msk $0xffff, v17  }
0x6f: {  	v17 =	vor.u32 v1, v8;
	v11 =	vld [tilespmem:s20+$0xB0];
	[tilespmem:v22+s12+$0x0] =	vst.idx.msk $0xffff, v23  }
0x70: {  	s22 =	sadd.s32 $0x4, s22;
	v16 =	vor.u32 v2, v8;
	v14 =	vld [tilespmem:s20+$0xC0];
	[tilespmem:v26+s12+$0x0] =	vst.idx.msk $0xffff, v24  }
0x71: {  	_ = 	snop  }
0x72: {  	v21 =	vld [tilespmem:s20+$0xD0]  }
0x73: {  	v51 =	vld [tilespmem:s20+$0xE0]  }
0x74: {  	v53 =	vld [tilespmem:s20+$0xF0]  }
0x75: {  	v22 =	vor.u32 v3, v8;
	[tilespmem:v20+s12+$0x0] =	vst.idx.msk $0xffff, v10;
	v56 =	vld [tilespmem:s20+$0xFFFFFF00]  }
0x76: {  	v52 =	vmov s21;
	v23 =	vor.u32 v4, v8;
	[tilespmem:v18+s12+$0x0] =	vst.idx.msk $0xffff, v15;
	v58 =	vld [tilespmem:s20+$0xFFFFFF10]  }
0x77: {  	v55 =	vor.u32 v5, v8;
	v59 =	vld [tilespmem:s20+$0xFFFFFF20];
	[tilespmem:v19+s12+$0x0] =	vst.idx.msk $0xffff, v9;
	v54 =	vand.u32 $0x7C, v52  }
0x78: {  	v57 =	vor.u32 v6, v8;
	v61 =	vld [tilespmem:s20+$0xFFFFFF30];
	[tilespmem:v17+s12+$0x0] =	vst.idx.msk $0xffff, v12;
	v19 =	vbroadcast v54, $0x0  }
0x79: {  	v8 =	vor.u32 v7, v8;
	v63 =	vld [tilespmem:s20+$0xFFFFFF40];
	[tilespmem:v16+s12+$0x0] =	vst.idx.msk $0xffff, v13  }
0x7a: {  	v25 =	vld [tilespmem:s20+$0xFFFFFF50];
	v60 =	vor.u32 v0, v19;
	[tilespmem:v22+s12+$0x0] =	vst.idx.msk $0xffff, v11  }
0x7b: {  	v27 =	vld [tilespmem:s20+$0xFFFFFF60];
	v62 =	vor.u32 v1, v19;
	[tilespmem:v23+s12+$0x0] =	vst.idx.msk $0xffff, v14  }
0x7c: {  	v32 =	vld [tilespmem:s20+$0xFFFFFF80];
	v24 =	vor.u32 v2, v19;
	[tilespmem:v55+s12+$0x0] =	vst.idx.msk $0xffff, v21  }
0x7d: {  	s22 =	sadd.s32 $0x1, s21;
	v34 =	vld [tilespmem:s20+$0xFFFFFF90];
	v26 =	vor.u32 v3, v19;
	[tilespmem:v57+s12+$0x0] =	vst.idx.msk $0xffff, v51  }
0x7e: {  	v36 =	vld [tilespmem:s20+$0xFFFFFFA0];
	v29 =	vmov s22;
	v28 =	vor.u32 v4, v19;
	[tilespmem:v8+s12+$0x0] =	vst.idx.msk $0xffff, v53  }
0x7f: {  	v31 =	vand.u32 $0x7D, v29;
	v30 =	vor.u32 v5, v19;
	v8 =	vld [tilespmem:s20+$0xFFFFFF70];
	[tilespmem:v60+s12+$0x0] =	vst.idx.msk $0xffff, v56  }
0x80: {  	v38 =	vld [tilespmem:s20+$0xFFFFFFB0];
	v16 =	vbroadcast v31, $0x0;
	v33 =	vor.u32 v6, v19;
	[tilespmem:v62+s12+$0x0] =	vst.idx.msk $0xffff, v58  }
0x81: {  	v40 =	vld [tilespmem:s20+$0xFFFFFFC0];
	v35 =	vor.u32 v7, v19;
	[tilespmem:v24+s12+$0x0] =	vst.idx.msk $0xffff, v59  }
0x82: {  	v42 =	vld [tilespmem:s20+$0xFFFFFFD0];
	s31 =	sadd.s32 $0x2, s21;
	v37 =	vor.u32 v0, v16;
	[tilespmem:v26+s12+$0x0] =	vst.idx.msk $0xffff, v61  }
0x83: {  	v44 =	vld [tilespmem:s20+$0xFFFFFFE0];
	v45 =	vmov s31;
	v39 =	vor.u32 v1, v16;
	[tilespmem:v28+s12+$0x0] =	vst.idx.msk $0xffff, v63  }
0x84: {  	v46 =	vld [tilespmem:s20+$0xFFFFFFF0];
	v13 =	vand.u32 $0x7E, v45;
	v41 =	vor.u32 v2, v16;
	[tilespmem:v30+s12+$0x0] =	vst.idx.msk $0xffff, v25  }
0x85: {  	v48 =	vld [tilespmem:s20+$0x0];
	v13 =	vbroadcast v13, $0x0;
	v43 =	vor.u32 v3, v16;
	[tilespmem:v33+s12+$0x0] =	vst.idx.msk $0xffff, v27  }
0x86: {  	v50 =	vld [tilespmem:s20+$0x10];
	[tilespmem:v35+s12+$0x0] =	vst.idx.msk $0xffff, v8;
	v8 =	vor.u32 v4, v16  }
0x87: {  	v52 =	vld [tilespmem:s20+$0x20];
	v53 =	vor.u32 v0, v13;
	[tilespmem:v37+s12+$0x0] =	vst.idx.msk $0xffff, v32  }
0x88: {  	v54 =	vld [tilespmem:s20+$0x30];
	v47 =	vor.u32 v5, v16;
	[tilespmem:v39+s12+$0x0] =	vst.idx.msk $0xffff, v34  }
0x89: {  	v49 =	vor.u32 v6, v16;
	v55 =	vld [tilespmem:s20+$0x40];
	[tilespmem:v41+s12+$0x0] =	vst.idx.msk $0xffff, v36  }
0x8a: {  	v51 =	vor.u32 v7, v16;
	v57 =	vld [tilespmem:s20+$0x50];
	[tilespmem:v43+s12+$0x0] =	vst.idx.msk $0xffff, v38  }
0x8b: {  	v59 =	vld [tilespmem:s20+$0x60];
	[tilespmem:v8+s12+$0x0] =	vst.idx.msk $0xffff, v40;
	v8 =	vor.u32 v1, v13  }
0x8c: {  	v56 =	vor.u32 v2, v13;
	v61 =	vld [tilespmem:s20+$0x70];
	[tilespmem:v53+s12+$0x0] =	vst.idx.msk $0xffff, v48  }
0x8d: {  	v58 =	vor.u32 v3, v13;
	[tilespmem:v47+s12+$0x0] =	vst.idx.msk $0xffff, v42  }
0x8e: {  	v60 =	vor.u32 v4, v13;
	[tilespmem:v49+s12+$0x0] =	vst.idx.msk $0xffff, v44  }
0x8f: {  	v62 =	vor.u32 v5, v13;
	[tilespmem:v51+s12+$0x0] =	vst.idx.msk $0xffff, v46  }
0x90: {  	[tilespmem:v8+s12+$0x0] =	vst.idx.msk $0xffff, v50;
	v8 =	vor.u32 v6, v13  }
0x91: {  	v63 =	vor.u32 v7, v13;
	[tilespmem:v56+s12+$0x0] =	vst.idx.msk $0xffff, v52  }
0x92: {  	[tilespmem:v58+s12+$0x0] =	vst.idx.msk $0xffff, v54  }
0x93: {  	[tilespmem:v60+s12+$0x0] =	vst.idx.msk $0xffff, v55  }
0x94: {  	[tilespmem:v62+s12+$0x0] =	vst.idx.msk $0xffff, v57  }
0x95: {  	s19 =	sshll.u32 s19, $0xB;
	[tilespmem:v8+s12+$0x0] =	vst.idx.msk $0xffff, v59  }
0x96: {  	s19 =	sadd.s32 s5, s19;
	[tilespmem:v63+s12+$0x0] =	vst.idx.msk $0xffff, v61  }
0x97: {  	[hbm4b:s19+s3] =	stream.linear.scatter [tilespmem:s12], [sflag:$0x3], $0x4000, $0x38;
	[tilespmem:$0xC000] =	vst v63  }
.LBB2_8:
0x98: {  	p2 =	seq.s32 s16, $0x7A;
	s18 =	sadd.s32 s7, s18;
	s19 =	simm.s32 @p0 $0x2  }
0x99: {  	p3 =	sgt.u32 @!p2 s18, $0x1E84;
	_ =	swait.ge @p0 [sflag:s19], $0x2000  }
0x9a: {  	p6 =	por !p0, !p0;
	p2 =	por p3, p2;
	[sflag:s19] =	ssyncset.done @p0 $0x0  }
0x9b: {  	s18 =	sshll.u32 @!p2 s18, $0x7;
	[sflag:s19] =	ssyncadd.s32 @p0 $0xFFFFE000;
	s19 =	simm.s32 @!p2 $0x400  }
0x9c: {  	s20 =	simm.s32 @!p2 $0x7A1400;
	s21 =	simm.s32 @!p2 $0x0;
	s18 =	sadd.s32 @!p2 s2, s18  }
0x9d: {  	[tilespmem:s21], [sflag:$0x1] =	stream.strided.gather @!p2 [hbm4b:s18+s19], $0x2000, s20, s19, $0x38;
	[tilespmem:$0xC000] =	vst v63  }
.Ltmp6:
0x9e: {  	p1 =	por p1, p6;
	(pc) =	sbr.rel @!p0 .LBB2_12-.Ltmp6, $4  }
0x9f: {  	s18 =	simm.s32 @!p1 $0x4  }
0xa0: {  	_ =	swait.ge @!p1 [sflag:s18], $0x4000  }
0xa1: {  	[sflag:s18] =	ssyncset.done @!p1 $0x0  }
0xa2: {  	[sflag:s18] =	ssyncadd.s32 @!p1 $0xFFFFC000  }
0xa3: {  	s19 =	simm.s32 $0x3  }
0xa4: {  	v8 =	vmov s19  }
0xa5: {  	s18 =	simm.s32 $0x2100;
	v8 =	vand.u32 $0x7F, v8  }
0xa6: {  	v9 =	vld [tilespmem:s18+$0x80];
	v8 =	vbroadcast v8, $0x0  }
0xa7: {  	v10 =	vld [tilespmem:s18+$0x90]  }
0xa8: {  	v11 =	vld [tilespmem:s18+$0xA0];
	v12 =	vor.u32 v0, v8  }
0xa9: {  	v13 =	vld [tilespmem:s18+$0xB0];
	v14 =	vor.u32 v1, v8  }
0xaa: {  	v15 =	vld [tilespmem:s18+$0xC0];
	v16 =	vor.u32 v2, v8  }
0xab: {  	s28 =	simm.s32 $0x0;
	v17 =	vld [tilespmem:s18+$0xD0];
	v18 =	vor.u32 v3, v8  }
0xac: {  	v19 =	vld [tilespmem:s18+$0xE0];
	v20 =	vmov s28;
	v21 =	vor.u32 v4, v8  }
0xad: {  	v22 =	vld [tilespmem:s18+$0xF0];
	v20 =	vand.u32 $0x7C, v20;
	[tilespmem:v12+s13+$0x0] =	vst.idx.msk $0xffff, v9;
	v9 =	vor.u32 v5, v8  }
0xae: {  	v20 =	vbroadcast v20, $0x0;
	v12 =	vld [tilespmem:s18+$0xFFFFFF00];
	[tilespmem:v14+s13+$0x0] =	vst.idx.msk $0xffff, v10;
	v10 =	vor.u32 v6, v8  }
0xaf: {  	v14 =	vld [tilespmem:s18+$0xFFFFFF10];
	v8 =	vor.u32 v7, v8;
	[tilespmem:v16+s13+$0x0] =	vst.idx.msk $0xffff, v11  }
0xb0: {  	v11 =	vld [tilespmem:s18+$0xFFFFFF20];
	v16 =	vor.u32 v0, v20;
	[tilespmem:v18+s13+$0x0] =	vst.idx.msk $0xffff, v13  }
0xb1: {  	v13 =	vld [tilespmem:s18+$0xFFFFFF30];
	v18 =	vor.u32 v1, v20;
	[tilespmem:v21+s13+$0x0] =	vst.idx.msk $0xffff, v15  }
0xb2: {  	v15 =	vld [tilespmem:s18+$0xFFFFFF40];
	v21 =	vor.u32 v2, v20;
	[tilespmem:v9+s13+$0x0] =	vst.idx.msk $0xffff, v17  }
0xb3: {  	s29 =	simm.s32 $0x1;
	v9 =	vld [tilespmem:s18+$0xFFFFFF50];
	v17 =	vor.u32 v3, v20;
	[tilespmem:v10+s13+$0x0] =	vst.idx.msk $0xffff, v19  }
0xb4: {  	v23 =	vmov s29;
	v10 =	vld [tilespmem:s18+$0xFFFFFF60];
	v19 =	vor.u32 v4, v20;
	[tilespmem:v8+s13+$0x0] =	vst.idx.msk $0xffff, v22  }
0xb5: {  	v8 =	vld [tilespmem:s18+$0xFFFFFF70];
	[tilespmem:v16+s13+$0x0] =	vst.idx.msk $0xffff, v12;
	v12 =	vor.u32 v5, v20;
	v16 =	vand.u32 $0x7D, v23  }
0xb6: {  	v22 =	vld [tilespmem:s18+$0xFFFFFF80];
	[tilespmem:v18+s13+$0x0] =	vst.idx.msk $0xffff, v14;
	v14 =	vor.u32 v6, v20;
	v16 =	vbroadcast v16, $0x0  }
0xb7: {  	v18 =	vld [tilespmem:s18+$0xFFFFFF90];
	[tilespmem:v21+s13+$0x0] =	vst.idx.msk $0xffff, v11;
	v11 =	vor.u32 v7, v20  }
0xb8: {  	v20 =	vld [tilespmem:s18+$0xFFFFFFA0];
	[tilespmem:v17+s13+$0x0] =	vst.idx.msk $0xffff, v13;
	v13 =	vor.u32 v0, v16  }
0xb9: {  	v21 =	vld [tilespmem:s18+$0xFFFFFFF0];
	[tilespmem:v19+s13+$0x0] =	vst.idx.msk $0xffff, v15;
	v15 =	vor.u32 v1, v16  }
0xba: {  	v17 =	vld [tilespmem:s18+$0xFFFFFFB0];
	[tilespmem:v12+s13+$0x0] =	vst.idx.msk $0xffff, v9;
	v9 =	vor.u32 v2, v16  }
0xbb: {  	s30 =	simm.s32 $0x2;
	v19 =	vld [tilespmem:s18+$0xFFFFFFC0];
	[tilespmem:v14+s13+$0x0] =	vst.idx.msk $0xffff, v10;
	v10 =	vor.u32 v3, v16  }
0xbc: {  	v12 =	vld [tilespmem:s18+$0xFFFFFFD0];
	[tilespmem:v11+s13+$0x0] =	vst.idx.msk $0xffff, v8;
	v8 =	vor.u32 v4, v16;
	v11 =	vmov s30  }
0xbd: {  	v14 =	vld [tilespmem:s18+$0xFFFFFFE0];
	[tilespmem:v13+s13+$0x0] =	vst.idx.msk $0xffff, v22;
	v13 =	vor.u32 v5, v16;
	v11 =	vand.u32 $0x7E, v11  }
0xbe: {  	v24 =	vld [tilespmem:s18+$0x40];
	[tilespmem:v15+s13+$0x0] =	vst.idx.msk $0xffff, v18;
	v15 =	vor.u32 v6, v16;
	v11 =	vbroadcast v11, $0x0  }
0xbf: {  	v25 =	vld [tilespmem:s18+$0x50];
	[tilespmem:v9+s13+$0x0] =	vst.idx.msk $0xffff, v20;
	v9 =	vor.u32 v7, v16  }
0xc0: {  	v22 =	vld [tilespmem:s18+$0x0];
	[tilespmem:v10+s13+$0x0] =	vst.idx.msk $0xffff, v17;
	v17 =	vor.u32 v0, v11  }
0xc1: {  	v18 =	vld [tilespmem:s18+$0x10];
	[tilespmem:v8+s13+$0x0] =	vst.idx.msk $0xffff, v19;
	v8 =	vor.u32 v1, v11  }
0xc2: {  	v16 =	vld [tilespmem:s18+$0x20];
	[tilespmem:v13+s13+$0x0] =	vst.idx.msk $0xffff, v12;
	v13 =	vor.u32 v2, v11  }
0xc3: {  	s31 =	simm.s32 $0x7;
	v23 =	vld [tilespmem:s18+$0x30];
	[tilespmem:v15+s13+$0x0] =	vst.idx.msk $0xffff, v14;
	v14 =	vor.u32 v3, v11  }
0xc4: {  	v10 =	vld [tilespmem:s18+$0x60];
	v12 =	vmov s31;
	[tilespmem:v9+s13+$0x0] =	vst.idx.msk $0xffff, v21;
	v21 =	vor.u32 v4, v11  }
0xc5: {  	v12 =	vand.u32 $0x7F, v12;
	v9 =	vld [tilespmem:s18+$0x70];
	s18 =	simm.s32 $0x2300;
	[tilespmem:v17+s13+$0x0] =	vst.idx.msk $0xffff, v22;
	v22 =	vor.u32 v5, v11  }
0xc6: {  	v20 =	vor.u32 v6, v11;
	v15 =	vld [tilespmem:s18+$0x80];
	[tilespmem:v8+s13+$0x0] =	vst.idx.msk $0xffff, v18;
	v8 =	vbroadcast v12, $0x0  }
0xc7: {  	v19 =	vor.u32 v7, v11;
	v11 =	vld [tilespmem:s18+$0xB0];
	[tilespmem:v13+s13+$0x0] =	vst.idx.msk $0xffff, v16  }
0xc8: {  	v12 =	vld [tilespmem:s18+$0x90];
	[tilespmem:v14+s13+$0x0] =	vst.idx.msk $0xffff, v23;
	v18 =	vor.u32 v0, v8  }
0xc9: {  	v13 =	vld [tilespmem:s18+$0xA0];
	v17 =	vor.u32 v1, v8;
	[tilespmem:v21+s13+$0x0] =	vst.idx.msk $0xffff, v24  }
0xca: {  	s20 =	simm.s32 $0x8;
	s19 =	simm.s32 $0x4;
	v14 =	vld [tilespmem:s18+$0xC0];
	v16 =	vor.u32 v2, v8;
	[tilespmem:v22+s13+$0x0] =	vst.idx.msk $0xffff, v25  }
.LBB2_10:
0xcb: {  	p0 =	slt.u32 s20, $0x3C;
	v21 =	vld [tilespmem:s18+$0xD0];
	v22 =	vor.u32 v3, v8;
	[tilespmem:v20+s13+$0x0] =	vst.idx.msk $0xffff, v10  }
0xcc: {  	v10 =	vmov s19;
	v23 =	vor.u32 v4, v8;
	v20 =	vld [tilespmem:s18+$0xE0];
	[tilespmem:v19+s13+$0x0] =	vst.idx.msk $0xffff, v9  }
0xcd: {  	v9 =	vand.u32 $0x7C, v10;
	v10 =	vld [tilespmem:s18+$0xF0];
	[tilespmem:v18+s13+$0x0] =	vst.idx.msk $0xffff, v15;
	v15 =	vor.u32 v5, v8  }
0xce: {  	v9 =	vbroadcast v9, $0x0;
	v18 =	vld [tilespmem:s18+$0xFFFFFF00];
	[tilespmem:v17+s13+$0x0] =	vst.idx.msk $0xffff, v12;
	v12 =	vor.u32 v6, v8  }
0xcf: {  	v8 =	vor.u32 v7, v8;
	v17 =	vld [tilespmem:s18+$0xFFFFFF10];
	[tilespmem:v16+s13+$0x0] =	vst.idx.msk $0xffff, v13  }
0xd0: {  	v16 =	vor.u32 v0, v9;
	v13 =	vld [tilespmem:s18+$0xFFFFFF20];
	[tilespmem:v22+s13+$0x0] =	vst.idx.msk $0xffff, v11  }
0xd1: {  	v19 =	vor.u32 v1, v9;
	v11 =	vld [tilespmem:s18+$0xFFFFFF30];
	[tilespmem:v23+s13+$0x0] =	vst.idx.msk $0xffff, v14  }
0xd2: {  	v22 =	vor.u32 v2, v9;
	v14 =	vld [tilespmem:s18+$0xFFFFFF40];
	[tilespmem:v15+s13+$0x0] =	vst.idx.msk $0xffff, v21  }
0xd3: {  	s21 =	sadd.s32 $0x1, s19;
	v21 =	vor.u32 v3, v9;
	v15 =	vld [tilespmem:s18+$0xFFFFFF50];
	[tilespmem:v12+s13+$0x0] =	vst.idx.msk $0xffff, v20  }
0xd4: {  	v23 =	vmov s21;
	v20 =	vor.u32 v4, v9;
	v12 =	vld [tilespmem:s18+$0xFFFFFF60];
	[tilespmem:v8+s13+$0x0] =	vst.idx.msk $0xffff, v10  }
0xd5: {  	v10 =	vor.u32 v5, v9;
	v8 =	vld [tilespmem:s18+$0xFFFFFF70];
	[tilespmem:v16+s13+$0x0] =	vst.idx.msk $0xffff, v18;
	v16 =	vand.u32 $0x7D, v23  }
0xd6: {  	[tilespmem:v19+s13+$0x0] =	vst.idx.msk $0xffff, v17;
	v17 =	vor.u32 v6, v9;
	v18 =	vld [tilespmem:s18+$0xFFFFFF80];
	v16 =	vbroadcast v16, $0x0  }
0xd7: {  	v9 =	vor.u32 v7, v9;
	[tilespmem:v22+s13+$0x0] =	vst.idx.msk $0xffff, v13;
	v13 =	vld [tilespmem:s18+$0xFFFFFF90]  }
0xd8: {  	[tilespmem:v21+s13+$0x0] =	vst.idx.msk $0xffff, v11;
	v11 =	vld [tilespmem:s18+$0xFFFFFFA0];
	v19 =	vor.u32 v0, v16  }
0xd9: {  	[tilespmem:v20+s13+$0x0] =	vst.idx.msk $0xffff, v14;
	v14 =	vld [tilespmem:s18+$0xFFFFFFB0];
	v20 =	vor.u32 v1, v16  }
0xda: {  	[tilespmem:v10+s13+$0x0] =	vst.idx.msk $0xffff, v15;
	v10 =	vld [tilespmem:s18+$0xFFFFFFC0];
	v15 =	vor.u32 v2, v16  }
0xdb: {  	s21 =	sadd.s32 $0x2, s19;
	s19 =	smov.u32 s20;
	[tilespmem:v17+s13+$0x0] =	vst.idx.msk $0xffff, v12;
	v12 =	vld [tilespmem:s18+$0xFFFFFFD0];
	v17 =	vor.u32 v3, v16  }
0xdc: {  	v21 =	vmov s21;
	[tilespmem:v9+s13+$0x0] =	vst.idx.msk $0xffff, v8;
	v8 =	vld [tilespmem:s18+$0xFFFFFFE0];
	v9 =	vor.u32 v4, v16  }
0xdd: {  	v22 =	vld [tilespmem:s18+$0xFFFFFFF0];
	[tilespmem:v19+s13+$0x0] =	vst.idx.msk $0xffff, v18;
	v18 =	vor.u32 v5, v16;
	v19 =	vand.u32 $0x7E, v21  }
0xde: {  	[tilespmem:v20+s13+$0x0] =	vst.idx.msk $0xffff, v13;
	v13 =	vor.u32 v6, v16;
	v20 =	vld [tilespmem:s18+$0x0];
	v19 =	vbroadcast v19, $0x0  }
0xdf: {  	[tilespmem:v15+s13+$0x0] =	vst.idx.msk $0xffff, v11;
	v11 =	vor.u32 v7, v16;
	v16 =	vld [tilespmem:s18+$0x10]  }
0xe0: {  	[tilespmem:v17+s13+$0x0] =	vst.idx.msk $0xffff, v14;
	v14 =	vld [tilespmem:s18+$0x20];
	v15 =	vor.u32 v0, v19  }
0xe1: {  	v21 =	vor.u32 v1, v19;
	[tilespmem:v9+s13+$0x0] =	vst.idx.msk $0xffff, v10;
	v17 =	vld [tilespmem:s18+$0x30]  }
0xe2: {  	[tilespmem:v18+s13+$0x0] =	vst.idx.msk $0xffff, v12;
	v23 =	vld [tilespmem:s18+$0x40];
	v18 =	vor.u32 v2, v19  }
0xe3: {  	s21 =	sadd.s32 $0x3, s20;
	v25 =	vor.u32 v3, v19;
	[tilespmem:v13+s13+$0x0] =	vst.idx.msk $0xffff, v8;
	v24 =	vld [tilespmem:s18+$0x50]  }
0xe4: {  	v8 =	vmov s21;
	[tilespmem:v11+s13+$0x0] =	vst.idx.msk $0xffff, v22;
	v10 =	vld [tilespmem:s18+$0x60];
	v22 =	vor.u32 v4, v19  }
0xe5: {  	v26 =	vor.u32 v5, v19;
	v8 =	vand.u32 $0x7F, v8;
	v9 =	vld [tilespmem:s18+$0x70];
	[tilespmem:v15+s13+$0x0] =	vst.idx.msk $0xffff, v20;
	s18 =	sadd.s32 $0x200, s18  }
.Ltmp7:
0xe6: {  	v8 =	vbroadcast v8, $0x0;
	v20 =	vor.u32 v6, v19;
	v15 =	vld [tilespmem:s18+$0x80];
	[tilespmem:v21+s13+$0x0] =	vst.idx.msk $0xffff, v16;
	(pc) =	sbr.rel @p0 .LBB2_10-.Ltmp7, $4  }
0xe7: {  	v19 =	vor.u32 v7, v19;
	v12 =	vld [tilespmem:s18+$0x90];
	[tilespmem:v18+s13+$0x0] =	vst.idx.msk $0xffff, v14  }
0xe8: {  	v18 =	vor.u32 v0, v8;
	v13 =	vld [tilespmem:s18+$0xA0];
	[tilespmem:v25+s13+$0x0] =	vst.idx.msk $0xffff, v17  }
0xe9: {  	v17 =	vor.u32 v1, v8;
	v11 =	vld [tilespmem:s18+$0xB0];
	[tilespmem:v22+s13+$0x0] =	vst.idx.msk $0xffff, v23  }
0xea: {  	s20 =	sadd.s32 $0x4, s20;
	v16 =	vor.u32 v2, v8;
	v14 =	vld [tilespmem:s18+$0xC0];
	[tilespmem:v26+s13+$0x0] =	vst.idx.msk $0xffff, v24  }
0xeb: {  	_ = 	snop  }
0xec: {  	v21 =	vld [tilespmem:s18+$0xD0]  }
0xed: {  	v51 =	vld [tilespmem:s18+$0xE0]  }
0xee: {  	v53 =	vld [tilespmem:s18+$0xF0]  }
0xef: {  	v22 =	vor.u32 v3, v8;
	[tilespmem:v20+s13+$0x0] =	vst.idx.msk $0xffff, v10;
	v56 =	vld [tilespmem:s18+$0xFFFFFF00]  }
0xf0: {  	v52 =	vmov s19;
	v23 =	vor.u32 v4, v8;
	[tilespmem:v18+s13+$0x0] =	vst.idx.msk $0xffff, v15;
	v58 =	vld [tilespmem:s18+$0xFFFFFF10]  }
0xf1: {  	v55 =	vor.u32 v5, v8;
	v59 =	vld [tilespmem:s18+$0xFFFFFF20];
	[tilespmem:v19+s13+$0x0] =	vst.idx.msk $0xffff, v9;
	v54 =	vand.u32 $0x7C, v52  }
0xf2: {  	v57 =	vor.u32 v6, v8;
	v61 =	vld [tilespmem:s18+$0xFFFFFF30];
	[tilespmem:v17+s13+$0x0] =	vst.idx.msk $0xffff, v12;
	v19 =	vbroadcast v54, $0x0  }
0xf3: {  	v8 =	vor.u32 v7, v8;
	v63 =	vld [tilespmem:s18+$0xFFFFFF40];
	[tilespmem:v16+s13+$0x0] =	vst.idx.msk $0xffff, v13  }
0xf4: {  	v25 =	vld [tilespmem:s18+$0xFFFFFF50];
	v60 =	vor.u32 v0, v19;
	[tilespmem:v22+s13+$0x0] =	vst.idx.msk $0xffff, v11  }
0xf5: {  	v27 =	vld [tilespmem:s18+$0xFFFFFF60];
	v62 =	vor.u32 v1, v19;
	[tilespmem:v23+s13+$0x0] =	vst.idx.msk $0xffff, v14  }
0xf6: {  	v32 =	vld [tilespmem:s18+$0xFFFFFF80];
	v24 =	vor.u32 v2, v19;
	[tilespmem:v55+s13+$0x0] =	vst.idx.msk $0xffff, v21  }
0xf7: {  	s20 =	sadd.s32 $0x1, s19;
	v34 =	vld [tilespmem:s18+$0xFFFFFF90];
	v26 =	vor.u32 v3, v19;
	[tilespmem:v57+s13+$0x0] =	vst.idx.msk $0xffff, v51  }
0xf8: {  	v36 =	vld [tilespmem:s18+$0xFFFFFFA0];
	v29 =	vmov s20;
	v28 =	vor.u32 v4, v19;
	[tilespmem:v8+s13+$0x0] =	vst.idx.msk $0xffff, v53  }
0xf9: {  	v31 =	vand.u32 $0x7D, v29;
	v30 =	vor.u32 v5, v19;
	v8 =	vld [tilespmem:s18+$0xFFFFFF70];
	[tilespmem:v60+s13+$0x0] =	vst.idx.msk $0xffff, v56  }
0xfa: {  	v38 =	vld [tilespmem:s18+$0xFFFFFFB0];
	v16 =	vbroadcast v31, $0x0;
	v33 =	vor.u32 v6, v19;
	[tilespmem:v62+s13+$0x0] =	vst.idx.msk $0xffff, v58  }
0xfb: {  	v40 =	vld [tilespmem:s18+$0xFFFFFFC0];
	v35 =	vor.u32 v7, v19;
	[tilespmem:v24+s13+$0x0] =	vst.idx.msk $0xffff, v59  }
0xfc: {  	v42 =	vld [tilespmem:s18+$0xFFFFFFD0];
	s31 =	sadd.s32 $0x2, s19;
	v37 =	vor.u32 v0, v16;
	[tilespmem:v26+s13+$0x0] =	vst.idx.msk $0xffff, v61  }
0xfd: {  	v44 =	vld [tilespmem:s18+$0xFFFFFFE0];
	v45 =	vmov s31;
	v39 =	vor.u32 v1, v16;
	[tilespmem:v28+s13+$0x0] =	vst.idx.msk $0xffff, v63  }
0xfe: {  	v46 =	vld [tilespmem:s18+$0xFFFFFFF0];
	v13 =	vand.u32 $0x7E, v45;
	v41 =	vor.u32 v2, v16;
	[tilespmem:v30+s13+$0x0] =	vst.idx.msk $0xffff, v25  }
0xff: {  	v48 =	vld [tilespmem:s18+$0x0];
	v13 =	vbroadcast v13, $0x0;
	v43 =	vor.u32 v3, v16;
	[tilespmem:v33+s13+$0x0] =	vst.idx.msk $0xffff, v27  }
0x100: {  	v50 =	vld [tilespmem:s18+$0x10];
	[tilespmem:v35+s13+$0x0] =	vst.idx.msk $0xffff, v8;
	v8 =	vor.u32 v4, v16  }
0x101: {  	v52 =	vld [tilespmem:s18+$0x20];
	v53 =	vor.u32 v0, v13;
	[tilespmem:v37+s13+$0x0] =	vst.idx.msk $0xffff, v32  }
0x102: {  	v54 =	vld [tilespmem:s18+$0x30];
	v47 =	vor.u32 v5, v16;
	[tilespmem:v39+s13+$0x0] =	vst.idx.msk $0xffff, v34  }
0x103: {  	v49 =	vor.u32 v6, v16;
	v55 =	vld [tilespmem:s18+$0x40];
	[tilespmem:v41+s13+$0x0] =	vst.idx.msk $0xffff, v36  }
0x104: {  	v51 =	vor.u32 v7, v16;
	v57 =	vld [tilespmem:s18+$0x50];
	[tilespmem:v43+s13+$0x0] =	vst.idx.msk $0xffff, v38  }
0x105: {  	v59 =	vld [tilespmem:s18+$0x60];
	[tilespmem:v8+s13+$0x0] =	vst.idx.msk $0xffff, v40;
	v8 =	vor.u32 v1, v13  }
0x106: {  	v56 =	vor.u32 v2, v13;
	v61 =	vld [tilespmem:s18+$0x70];
	[tilespmem:v53+s13+$0x0] =	vst.idx.msk $0xffff, v48  }
0x107: {  	v58 =	vor.u32 v3, v13;
	[tilespmem:v47+s13+$0x0] =	vst.idx.msk $0xffff, v42  }
0x108: {  	v60 =	vor.u32 v4, v13;
	[tilespmem:v49+s13+$0x0] =	vst.idx.msk $0xffff, v44  }
0x109: {  	v62 =	vor.u32 v5, v13;
	[tilespmem:v51+s13+$0x0] =	vst.idx.msk $0xffff, v46  }
0x10a: {  	[tilespmem:v8+s13+$0x0] =	vst.idx.msk $0xffff, v50;
	v8 =	vor.u32 v6, v13  }
0x10b: {  	v63 =	vor.u32 v7, v13;
	[tilespmem:v56+s13+$0x0] =	vst.idx.msk $0xffff, v52  }
0x10c: {  	[tilespmem:v58+s13+$0x0] =	vst.idx.msk $0xffff, v54  }
.Ltmp8:
0x10d: {  	[tilespmem:v60+s13+$0x0] =	vst.idx.msk $0xffff, v55;
	(pc) =	sbr.rel .LBB2_12-.Ltmp8, $4  }
0x10e: {  	[tilespmem:v62+s13+$0x0] =	vst.idx.msk $0xffff, v57  }
0x10f: {  	s17 =	sshll.u32 s17, $0xB;
	[tilespmem:v8+s13+$0x0] =	vst.idx.msk $0xffff, v59  }
0x110: {  	s17 =	sadd.s32 s5, s17;
	[tilespmem:v63+s13+$0x0] =	vst.idx.msk $0xffff, v61  }
0x111: {  	[hbm4b:s17+s3] =	stream.linear.scatter [tilespmem:s13], [sflag:$0x4], $0x4000, $0x38;
	[tilespmem:$0xC000] =	vst v63  }
.LBB2_4:
.Ltmp9:
0x112: {  	(pc) =	sbr.rel @p2 .LBB2_8-.Ltmp9, $4  }
.Ltmp10:
0x113: {  	(pc) =	sbr.rel @!p2 .LBB2_5-.Ltmp10, $4  }
0x114: {  	_ = 	snop  }
0x115: {  	_ = 	snop  }
0x116: {  	_ = 	snop  }
0x117: {  	_ = 	snop  }
.LBB2_14:
0x118: {  	_ =	sfence.sel $0x180000  }
0x119: {  	[bflag:$0x0] =	sbarrier.arrive $0xFFFF  }
0x11a: {  	p0 =	sne.s32 s0, $0x0;
	_ =	strace $0x90000047  }
0x11b: {  	s0 =	sadd.s32 @!p0 $0x100000, s1;
	[bflag:$0x2] =	sbarrier.arrive $0xFFFF  }
0x11c: {  	[sflag:s0] =	ssyncadd.tile.s32 @!p0 $0x1;
	_ =	shalt  }
.Lfunc_end2:
_tile_overlayer_lowered:
.L_overlay_start_2:
0x11d: {  	(tag) =	ssettag $0x2  }
0x11e: {  	s0 =	rddreg [dreg:$0x0];
	s2 =	stileid.u32  }
0x11f: {  	s1 =	rddreg [dreg:$0x1];
	p0 =	sne.s32 s2, $0x0  }
0x120: {  	s3 =	rddreg [dreg:$0x2];
	[bflag:$0x3] =	sbarrier.arrive $0xFFFF;
	s2 =	simm.s32 @!p0 $0x1C05  }
0x121: {  	[timem:s3], [sflag:s2] =	dma.local @!p0 [hbm:s0], s1  }
0x122: {  	s0 =	simm.s32 @!p0 $0x5  }
0x123: {  	_ =	swait.ge @!p0 [sflag:s0], s1  }
0x124: {  	s1 =	ssub.s32 @!p0 $0x0, s1;
	[sflag:s0] =	ssyncset.done @!p0 $0x0  }
0x125: {  	[sflag:s0] =	ssyncadd.s32 @!p0 s1  }
0x126: {  	[bflag:$0x3] =	sbarrier.arrive $0xFFFF  }
0x127: {  	_ =	shalt  }

// kernel: kernel.7.cloned.1.call-start
scs
__scs_entry_jumppad:
0x0: {  	(pc) =	sbr.rel $0x88, $3  }
0x1: {  	(tag) =	ssettag $0x0;
	lr =	simm.s32 $0x1  }
0x2: {  	[smem:$0x3F9F] =	sst lr;
	_ =	strace $0xD0000000  }
0x3: {  	_ = 	snop  }
0x4: {  	_ = 	snop  }
0x5: {  	_ = 	snop  }
0x6: {  	_ = 	snop  }
0x7: {  	_ = 	snop  }
__scs_overlays_trampoline_lowered:
0x8: {  	[smem:$0x3FAE] =	sst s0  }
0x9: {  	[smem:$0x3FAF] =	sst s1  }
0xa: {  	[smem:$0x3FB0] =	sst s2  }
0xb: {  	[smem:$0x3FB1] =	sst s3  }
0xc: {  	[smem:$0x3FB2] =	sst s4  }
0xd: {  	[smem:$0x3FB3] =	sst s5  }
0xe: {  	[smem:$0x3FB4] =	sst s6  }
0xf: {  	[smem:$0x3FB5] =	sst s7  }
0x10: {  	[smem:$0x3FB6] =	sst s8  }
0x11: {  	[smem:$0x3FB7] =	sst s9;
	s0 =	simm.s32 @!p0 $0x0  }
0x12: {  	s1 =	sld [smem:$0x3F9D];
	s0 =	simm.s32 @p0 $0x1  }
0x13: {  	[smem:$0x3FB8] =	sst s0;
	s0 =	simm.s32 @!p1 $0x0  }
0x14: {  	s2 =	sld [smem:$0x3F9C];
	s0 =	simm.s32 @p1 $0x1  }
0x15: {  	[smem:$0x3FB9] =	sst s0;
	s0 =	simm.s32 @!p2 $0x0  }
0x16: {  	s3 =	sld [smem:$0x3FDB];
	s0 =	simm.s32 @p2 $0x1  }
0x17: {  	s4 =	simm.s32 $0x1BF5;
	[smem:$0x3FBB] =	sst s0  }
0x18: {  	s0 =	sld [smem:$0x3F9E];
	_ =	swait.ge [sflag:s4], $0x0  }
0x19: {  	s7 =	sld [smem:$0x3F9F]  }
0x1a: {  	s8 =	sadd.s32 $0xFFFFE003, lr  }
0x1b: {  	s9 =	sadd.s32 $0xFFFFFEF7, lr;
	s5 =	simm.s32 $0xFFFFFFFF;
	p2 =	slt.u32 s8, $0xFFFFF086  }
0x1c: {  	p1 =	slt.u32 s9, $0xF7A;
	s5 =	simm.s32 @!p2 $0x0  }
0x1d: {  	s5 =	simm.s32 @p1 $0x1;
	p0 =	seq.s32 s7, s2  }
0x1e: {  	s7 =	smul.u32 @!p0 $0xF7A, s2;
	p2 =	seq.s32 @!p0 s5, $0x0  }
0x1f: {  	s9 =	smul.u32 $0xF7A, s1;
	s8 =	simm.s32 @!p0 $0x1BF5;
	p2 =	por !p2, p0  }
0x20: {  	[sflag:s8] =	ssyncset.s32 @!p0 $0xFFFFF086;
	s6 =	sadd.s32 @!p0 s3, s7;
	s7 =	simm.s32 @!p0 $0x108  }
0x21: {  	s3 =	sadd.s32 s3, s9;
	s6 =	sadd.s32 @!p0 $0x88, s6;
	s7 =	simm.s32 @p2 $0x1082  }
0x22: {  	[simem:s7], [sflag:s8] =	dma.local @!p0 [hbm:s6], $0xF7A  }
0x23: {  	s9 =	sor.u32 $0xD0000000, s2;
	s6 =	simm.s32 $0x108;
	_ =	swait.ge @!p0 [sflag:s8], $0x0  }
0x24: {  	s3 =	sadd.s32 $0x88, s3;
	s6 =	simm.s32 @!p1 $0x1082;
	[sflag:s4] =	ssyncset.s32 $0xFFFFF086  }
0x25: {  	[simem:s6], [sflag:s4] =	dma.local [hbm:s3], $0xF7A  }
0x26: {  	[smem:$0x3F9F] =	sst s1;
	(tag) =	ssettag s2;
	_ =	strace s9  }
0x27: {  	s1 =	sld [smem:$0x3FAF]  }
0x28: {  	s2 =	sld [smem:$0x3FB0]  }
0x29: {  	s4 =	sld [smem:$0x3FB2]  }
0x2a: {  	p0 =	seq.s32 s5, $0x0;
	s5 =	sld [smem:$0x3FB3]  }
0x2b: {  	s6 =	sld [smem:$0x3FB4]  }
0x2c: {  	s7 =	sld [smem:$0x3FB5]  }
0x2d: {  	s3 =	simm.s32 $0x108;
	s8 =	sld [smem:$0x3FB6]  }
0x2e: {  	s3 =	simm.s32 @!p0 $0x1082;
	s9 =	sld [smem:$0x3FB7]  }
0x2f: {  	lr =	sadd.s32 s0, s3;
	s0 =	sld [smem:$0x3FAE]  }
0x30: {  	s3 =	sld [smem:$0x3FB1]  }
0x31: {  	[smem:$0x3FBA] =	sst s10  }
0x32: {  	s10 =	sld [smem:$0x3FB8];
	_ =	sdelay $0x3  }
0x33: {  	p0 =	seq.s32 s10, $0x1;
	s10 =	sld [smem:$0x3FBA];
	_ =	sdelay $0x3  }
0x34: {  	[smem:$0x3FBA] =	sst s10  }
0x35: {  	s10 =	sld [smem:$0x3FB9];
	_ =	sdelay $0x3  }
0x36: {  	p1 =	seq.s32 s10, $0x1;
	s10 =	sld [smem:$0x3FBA];
	_ =	sdelay $0x3  }
0x37: {  	[smem:$0x3FBA] =	sst s10  }
0x38: {  	s10 =	sld [smem:$0x3FBB]  }
0x39: {  	_ = 	snop;
	(pc) =	sbr.ind lr, $3  }
0x3a: {  	_ = 	snop  }
0x3b: {  	_ = 	snop  }
0x3c: {  	p2 =	seq.s32 s10, $0x1;
	s10 =	sld [smem:$0x3FBA]  }
0x3d: {  	_ =	shalt  }
0x3e: {  	_ =	shalt  }
0x3f: {  	_ =	shalt  }
0x40: {  	_ =	shalt  }
0x41: {  	_ =	shalt  }
0x42: {  	_ =	shalt  }
0x43: {  	_ =	shalt  }
0x44: {  	_ =	shalt  }
0x45: {  	_ =	shalt  }
0x46: {  	_ =	shalt  }
0x47: {  	_ =	shalt  }
0x48: {  	_ =	shalt  }
0x49: {  	_ =	shalt  }
0x4a: {  	_ =	shalt  }
0x4b: {  	_ =	shalt  }
0x4c: {  	_ =	shalt  }
0x4d: {  	_ =	shalt  }
0x4e: {  	_ =	shalt  }
0x4f: {  	_ =	shalt  }
0x50: {  	_ =	shalt  }
0x51: {  	_ =	shalt  }
0x52: {  	_ =	shalt  }
0x53: {  	_ =	shalt  }
0x54: {  	_ =	shalt  }
0x55: {  	_ =	shalt  }
0x56: {  	_ =	shalt  }
0x57: {  	_ =	shalt  }
0x58: {  	_ =	shalt  }
0x59: {  	_ =	shalt  }
0x5a: {  	_ =	shalt  }
0x5b: {  	_ =	shalt  }
0x5c: {  	_ =	shalt  }
0x5d: {  	_ =	shalt  }
0x5e: {  	_ =	shalt  }
0x5f: {  	_ =	shalt  }
0x60: {  	_ =	shalt  }
0x61: {  	_ =	shalt  }
0x62: {  	_ =	shalt  }
0x63: {  	_ =	shalt  }
0x64: {  	_ =	shalt  }
0x65: {  	_ =	shalt  }
0x66: {  	_ =	shalt  }
0x67: {  	_ =	shalt  }
0x68: {  	_ =	shalt  }
0x69: {  	_ =	shalt  }
0x6a: {  	_ =	shalt  }
0x6b: {  	_ =	shalt  }
0x6c: {  	_ =	shalt  }
0x6d: {  	_ =	shalt  }
0x6e: {  	_ =	shalt  }
0x6f: {  	_ =	shalt  }
0x70: {  	_ =	shalt  }
0x71: {  	_ =	shalt  }
0x72: {  	_ =	shalt  }
0x73: {  	_ =	shalt  }
0x74: {  	_ =	shalt  }
0x75: {  	_ =	shalt  }
0x76: {  	_ =	shalt  }
0x77: {  	_ =	shalt  }
0x78: {  	_ =	shalt  }
0x79: {  	_ =	shalt  }
0x7a: {  	_ =	shalt  }
0x7b: {  	_ =	shalt  }
0x7c: {  	_ =	shalt  }
0x7d: {  	_ =	shalt  }
0x7e: {  	_ =	shalt  }
0x7f: {  	_ =	shalt  }
0x80: {  	_ =	shalt  }
0x81: {  	_ =	shalt  }
0x82: {  	_ =	shalt  }
0x83: {  	_ =	shalt  }
0x84: {  	_ =	shalt  }
0x85: {  	_ =	shalt  }
0x86: {  	_ =	shalt  }
0x87: {  	_ =	shalt  }
.Lfunc_end0:
.L_simem_size_0:
called_computation.1_lowered:
.L_overlay_start_0:
0x88: {  	s2 =	sld [smem:$0x3FD9]  }
0x89: {  	s3 =	sld [smem:$0x3FFE];
	_ =	sdelay $0x1  }
0x8a: {  	s1 =	srdreg.scid  }
0x8b: {  	s0 =	sand.u32 $0x1, s1  }
0x8c: {  	s17 =	sshll.u32 s0, $0xA;
	s2 =	sadd.s32 s3, s2  }
0x8d: {  	s2 =	sadd.s32 s2, s17  }
0x8e: {  	[smem:$0x3FC6] =	sst s2  }
0x8f: {  	_ = 	snop  }
0x90: {  	s2 =	sld [smem:$0x3FC9]  }
0x91: {  	s18 =	sld [smem:$0x3FD0];
	(tm) =	ssettm $0x1  }
0x92: {  	s4 =	sld [smem:$0x3FFB];
	_ =	sdelay $0x3  }
0x93: {  	_ =	strace s4  }
0x94: {  	s4 =	sld [smem:$0x3FFC];
	_ =	sdelay $0x3  }
0x95: {  	_ =	strace s4  }
0x96: {  	s4 =	sld [smem:$0x3FFD];
	_ =	sdelay $0x3  }
0x97: {  	_ =	strace s4  }
0x98: {  	_ =	strace $0x8FFFFFFF  }
0x99: {  	s19 =	sld [smem:$0x3FDB];
	_ =	sdelay $0x1  }
0x9a: {  	s5 =	simm.s32 $_scs_section_size  }
0x9b: {  	s6 =	simm.s32 $_size__tile_overlayer_lowered;
	s7 =	simm.s32 $_tile_overlayer_lowered  }
0x9c: {  	s22 =	simm.s32 $0x1BFF;
	s21 =	sshll.u32 s7, $0x1;
	s4 =	sadd.s32 s5, s19  }
0x9d: {  	s8 =	simm.s32 $0x0;
	s20 =	sshll.u32 s6, $0x1;
	s6 =	sadd.s32 s21, s4  }
0x9e: {  	[timem:s8], [sflag:s22] =	dma.local [hbm:s6], s20  }
0x9f: {  	_ =	swait.ge [sflag:s22], s20  }
0xa0: {  	s5 =	ssub.s32 $0x0, s20;
	[sflag:s22] =	ssyncset.done $0x0  }
0xa1: {  	[sflag:s22] =	ssyncadd.s32 s5;
	_ =	sdelay $0x1  }
0xa2: {  	s23 =	simm.s32 $0x1B8B  }
0xa3: {  	_ =	swait.ge [sflag:s23], $0x1  }
0xa4: {  	[sflag:s23] =	ssyncset.done $0x0  }
0xa5: {  	s25 =	simm.s32 $0x1B8E;
	s24 =	sld [smem:$0x3FFE];
	[sflag:s23] =	ssyncadd.s32 $0xFFFFFFFF  }
0xa6: {  	s26 =	simm.s32 $execute0_lowered;
	[smem:$0x3FD2] =	sst s25  }
0xa7: {  	s6 =	sshll.u32 s26, $0x1;
	_ =	strace $0x80000049;
	[dreg:$0x1] =	wrdreg $0xFFFFFFFF  }
0xa8: {  	s28 =	simm.s32 $_size_execute0_lowered;
	s4 =	sadd.s32 s4, s6;
	[dreg:$0x0] =	wrdreg $0x0  }
0xa9: {  	s6 =	sshll.u32 s28, $0x1;
	[dreg:$0x2] =	wrdreg s4  }
0xaa: {  	[dreg:$0x3] =	wrdreg s6  }
0xab: {  	[dreg:$0x4] =	wrdreg $0xC0  }
0xac: {  	_ =	task [dreg:s8], $0x5FFFF  }
0xad: {  	[dreg:$0x1] =	wrdreg $0xFFFFFFFF  }
0xae: {  	[dreg:$0x0] =	wrdreg $0x60  }
0xaf: {  	[dreg:$0x2] =	wrdreg s2  }
0xb0: {  	[dreg:$0x3] =	wrdreg s24  }
0xb1: {  	[dreg:$0x4] =	wrdreg s18  }
0xb2: {  	[dreg:$0x5] =	wrdreg $0x9  }
0xb3: {  	_ =	task.clear_ibuf [dreg:s8], $0x6FFFF;
	_ =	strace $0x90000049  }
0xb4: {  	s29 =	simm.s32 $0x9;
	_ =	strace $0x8000004B  }
0xb5: {  	_ =	swait.ge [sflag:s29], $0x1  }
0xb6: {  	[sflag:s29] =	ssyncadd.s32 $0xFFFFFFFF  }
0xb7: {  	_ =	strace $0x9000004B  }
0xb8: {  	_ =	sfence  }
0xb9: {  	s30 =	sld [smem:$0x0];
	_ =	sdelay $0x2  }
0xba: {  	s31 =	sshll.u32 s1, $0xD;
	s1 =	sshrl.u32 s1, $0x2  }
0xbb: {  	s3 =	sand.u32 $0x4000, s31;
	s1 =	sadd.s32 s1, s30  }
0xbc: {  	s0 =	sor.u32 s3, s0;
	s1 =	sshll.u32 s1, $0x11  }
0xbd: {  	s0 =	sor.u32 s1, s0  }
0xbe: {  	s0 =	sadd.s32 $0x8F2B, s0  }
0xbf: {  	[sflag:s0] =	ssyncadd.remote.s32 $0x1  }
0xc0: {  	_ =	sfence.sel $0xFFFF  }
0xc1: {  	[dreg:$0x0] =	wrdreg $0xFFFFFFFF;
	(pc) =	sbr.abs _section_cstart, $3  }
0xc2: {  	[dreg:$0x1] =	wrdreg $0xFFFFFFFF  }
0xc3: {  	_ =	task.clear_ibuf [dreg:s8], $0x2FFFF;
	_ =	strace $0x9FFFFFFF  }
0xc4: {  	(tm) =	ssettm $0x7FFFFFFF  }
0xc5: {  	_ =	shalt  }
tec
execute0_lowered:
.L_overlay_start_1:
0x0: {  	(tag) =	ssettag $0x1  }
0x1: {  	s6 =	rddreg [dreg:$0x0]  }
0x2: {  	s5 =	rddreg [dreg:$0x1]  }
0x3: {  	s1 =	rddreg [dreg:$0x2]  }
0x4: {  	s0 =	rddreg [dreg:$0x3];
	s3 =	simm.s32 $0x0;
	s4 =	srdreg.scid  }
0x5: {  	s2 =	stileid.u32;
	s10 =	simm.s32 $0x5;
	s11 =	simm.s32 $0x80  }
0x6: {  	s12 =	simm.s32 $0x6400;
	s13 =	simm.s32 $0x1;
	s14 =	simm.s32 $0xA400  }
0x7: {  	s15 =	simm.s32 $0xE400;
	s16 =	simm.s32 $0x2;
	s17 =	simm.s32 $0x10400  }
0x8: {  	v0 =	vlaneseq.u32;
	s18 =	simm.s32 $0x3;
	s19 =	simm.s32 $0x4;
	s20 =	simm.s32 $0x0  }
0x9: {  	[smem:$0x7FF] =	sst s3;
	s4 =	sand.u32 $0x1, s4;
	s8 =	sshll.u32 s2, $0xB;
	v0 =	vmul.u32 $0x80, v0  }
0xa: {  	s5 =	sadd.s32 $0x800, s5;
	s7 =	ssub.s32 $0x2, s4;
	s4 =	sshll.u32 s4, $0xA  }
0xb: {  	_ =	strace $0x8000004A;
	s9 =	sshrl.u32 s7, $0x1;
	s4 =	sor.u32 s4, s8;
	v1 =	vor.u32 $0x800, v0  }
0xc: {  	v2 =	vor.u32 $0x1000, v0;
	v3 =	vor.u32 $0x1800, v0;
	v4 =	vor.u32 $0x2000, v0;
	s7 =	ssub.s32 s7, s9;
	s8 =	sshrl.u32 s4, $0x3;
	s9 =	simm.s32 $0x8000  }
0xd: {  	v5 =	vor.u32 $0x2800, v0;
	v6 =	vor.u32 $0x3000, v0;
	v7 =	vor.u32 $0x3800, v0;
	s6 =	sadd.s32 s6, s8;
	s7 =	smax.u32 s7, $0x1;
	s8 =	simm.s32 $0x400  }
.LBB2_1:
0xe: {  	[tilespmem:s3], [sflag:$0x5] =	stream.strided.gather [hbm4b:s6+s8], $0x6400, s9, s8, $0x38;
	[tilespmem:$0x12400] =	vst v63  }
0xf: {  	_ =	swait.ge [sflag:s10], $0x6400  }
0x10: {  	[sflag:s10] =	ssyncset.done $0x0  }
0x11: {  	s21 =	simm.s32 $0x0;
	[sflag:s10] =	ssyncadd.s32 $0xFFFF9C00  }
0x12: {  	[tilespmem:s12], [sflag:$0x1] =	stream.indirect.gather [hbm4b:s5+s11], $0x80, s3, s11, $0xb8;
	[tilespmem:$0x12400] =	vst v63  }
.LBB2_2:
0x13: {  	s23 =	simm.s32 $0x1  }
0x14: {  	v8 =	vmov s23  }
0x15: {  	_ =	swait.ge [sflag:s13], $0x4000;
	s22 =	sshllo.u32 s21, $0x1;
	v8 =	vand.u32 $0x7D, v8  }
0x16: {  	p0 =	seq.s32 s21, $0x0;
	[sflag:s13] =	ssyncset.done $0x0;
	s28 =	sshll.u32 s22, $0x7;
	v9 =	vbroadcast v8, $0x0  }
0x17: {  	s24 =	simm.s32 $0x3;
	[sflag:s13] =	ssyncadd.s32 $0xFFFFC000;
	s23 =	sand.u32 $0x3FFFFF80, s28  }
0x18: {  	[tilespmem:s14], [sflag:$0x2] =	stream.indirect.gather [hbm4b:s5+s11], $0x80, s23, s11, $0xb8;
	v8 =	vor.u32 v0, v9;
	[tilespmem:$0x12400] =	vst v63  }
0x19: {  	v13 =	vmov s24;
	s23 =	simm.s32 @!p0 $0x3;
	v10 =	vor.u32 v1, v9  }
0x1a: {  	v13 =	vand.u32 $0x7F, v13;
	_ =	swait.ge @!p0 [sflag:s23], $0x2000;
	v11 =	vor.u32 v2, v9  }
0x1b: {  	v13 =	vbroadcast v13, $0x0;
	[sflag:s23] =	ssyncset.done @!p0 $0x0;
	v12 =	vor.u32 v3, v9  }
0x1c: {  	v14 =	vor.u32 v4, v9;
	[sflag:s23] =	ssyncadd.s32 @!p0 $0xFFFFE000  }
0x1d: {  	v24 =	vor.u32 v5, v13;
	v15 =	vld.idx.msk [tilespmem:v8+s12+$0x0], $0xffff  }
0x1e: {  	v8 =	vor.u32 v5, v9;
	v16 =	vld.idx.msk [tilespmem:v10+s12+$0x0], $0xffff  }
0x1f: {  	v10 =	vor.u32 v6, v9;
	v17 =	vld.idx.msk [tilespmem:v11+s12+$0x0], $0xffff  }
0x20: {  	v11 =	vor.u32 v0, v13;
	v18 =	vld.idx.msk [tilespmem:v12+s12+$0x0], $0xffff  }
0x21: {  	v12 =	vor.u32 v7, v13;
	v19 =	vld.idx.msk [tilespmem:v14+s12+$0x0], $0xffff  }
0x22: {  	v27 =	vor.u32 v7, v9;
	v14 =	vor.u32 v1, v13;
	v9 =	vld.idx.msk [tilespmem:v24+s12+$0x0], $0xffff  }
0x23: {  	s29 =	simm.s32 $0x2;
	v21 =	vor.u32 v2, v13;
	v20 =	vld.idx.msk [tilespmem:v8+s12+$0x0], $0xffff  }
0x24: {  	v23 =	vmov s29;
	v22 =	vld.idx.msk [tilespmem:v10+s12+$0x0], $0xffff;
	v10 =	vor.u32 v3, v13  }
0x25: {  	v23 =	vand.u32 $0x7E, v23;
	v8 =	vld.idx.msk [tilespmem:v11+s12+$0x0], $0xffff;
	v11 =	vor.u32 v4, v13  }
0x26: {  	v23 =	vbroadcast v23, $0x0;
	v26 =	vor.u32 v6, v13;
	v25 =	vld.idx.msk [tilespmem:v12+s12+$0x0], $0xffff  }
0x27: {  	v12 =	vld.idx.msk [tilespmem:v14+s12+$0x0], $0xffff  }
0x28: {  	v14 =	vld.idx.msk [tilespmem:v21+s12+$0x0], $0xffff;
	v21 =	vor.u32 v0, v23  }
0x29: {  	v28 =	vor.u32 v1, v23;
	v13 =	vld.idx.msk [tilespmem:v10+s12+$0x0], $0xffff  }
0x2a: {  	s23 =	simm.s32 $0xE500;
	v24 =	vor.u32 v3, v23;
	v10 =	vld.idx.msk [tilespmem:v11+s12+$0x0], $0xffff  }
0x2b: {  	s30 =	simm.s32 $0x0;
	v29 =	vor.u32 v2, v23;
	v11 =	vld.idx.msk [tilespmem:v26+s12+$0x0], $0xffff;
	[tilespmem:s23+$0xF0] =	vst v25  }
0x2c: {  	v25 =	vld.idx.msk [tilespmem:v27+s12+$0x0], $0xffff;
	v26 =	vor.u32 v4, v23;
	v27 =	vmov s30;
	[tilespmem:s23+$0xFFFFFF80] =	vst v15  }
0x2d: {  	v15 =	vld.idx.msk [tilespmem:v21+s12+$0x0], $0xffff;
	v21 =	vor.u32 v5, v23;
	[tilespmem:s23+$0xFFFFFF90] =	vst v16;
	v27 =	vand.u32 $0x7C, v27  }
0x2e: {  	v16 =	vld.idx.msk [tilespmem:v28+s12+$0x0], $0xffff;
	v28 =	vor.u32 v6, v23;
	[tilespmem:s23+$0xFFFFFFA0] =	vst v17;
	v27 =	vbroadcast v27, $0x0  }
0x2f: {  	v24 =	vld.idx.msk [tilespmem:v24+s12+$0x0], $0xffff;
	v23 =	vor.u32 v7, v23;
	[tilespmem:s23+$0xFFFFFFB0] =	vst v18  }
0x30: {  	v17 =	vld.idx.msk [tilespmem:v29+s12+$0x0], $0xffff;
	[tilespmem:s23+$0xFFFFFFC0] =	vst v19;
	v18 =	vor.u32 v0, v27  }
0x31: {  	[tilespmem:s23+$0xFFFFFFD0] =	vst v20;
	v29 =	vor.u32 v1, v27;
	v26 =	vld.idx.msk [tilespmem:v26+s12+$0x0], $0xffff  }
0x32: {  	[tilespmem:s23+$0xFFFFFFE0] =	vst v22;
	v30 =	vor.u32 v2, v27;
	v21 =	vld.idx.msk [tilespmem:v21+s12+$0x0], $0xffff  }
0x33: {  	s31 =	simm.s32 $0x5;
	v22 =	vld.idx.msk [tilespmem:v28+s12+$0x0], $0xffff;
	v28 =	vor.u32 v3, v27;
	[tilespmem:s23+$0xFFFFFFF0] =	vst v25  }
0x34: {  	v31 =	vld.idx.msk [tilespmem:v23+s12+$0x0], $0xffff;
	v23 =	vor.u32 v4, v27;
	[tilespmem:s23+$0x0] =	vst v15;
	v15 =	vmov s31  }
0x35: {  	v25 =	vor.u32 v5, v27;
	[tilespmem:s23+$0x10] =	vst v16;
	v15 =	vand.u32 $0x7D, v15;
	v19 =	vld.idx.msk [tilespmem:v18+s12+$0x0], $0xffff  }
0x36: {  	[tilespmem:s23+$0x20] =	vst v17;
	v15 =	vbroadcast v15, $0x0;
	v20 =	vld.idx.msk [tilespmem:v29+s12+$0x0], $0xffff;
	v29 =	vor.u32 v6, v27  }
0x37: {  	v18 =	vld.idx.msk [tilespmem:v30+s12+$0x0], $0xffff;
	[tilespmem:s23+$0x40] =	vst v26;
	v26 =	vor.u32 v7, v27  }
0x38: {  	[tilespmem:s23+$0x30] =	vst v24;
	v16 =	vld.idx.msk [tilespmem:v28+s12+$0x0], $0xffff;
	v27 =	vor.u32 v0, v15  }
0x39: {  	v17 =	vld.idx.msk [tilespmem:v23+s12+$0x0], $0xffff;
	[tilespmem:s23+$0x50] =	vst v21;
	v23 =	vor.u32 v1, v15  }
0x3a: {  	s25 =	simm.s32 $0x7;
	v21 =	vld.idx.msk [tilespmem:v25+s12+$0x0], $0xffff;
	[tilespmem:s23+$0x60] =	vst v22;
	v25 =	vor.u32 v2, v15  }
0x3b: {  	s24 =	simm.s32 $0x4;
	v24 =	vor.u32 v3, v15;
	v28 =	vmov s25;
	s25 =	simm.s32 $0x8;
	[tilespmem:s23+$0x70] =	vst v31;
	v22 =	vld.idx.msk [tilespmem:v29+s12+$0x0], $0xffff  }
.LBB2_3:
0x3c: {  	p0 =	slt.u32 s25, $0x3C;
	v29 =	vor.u32 v4, v15;
	v28 =	vand.u32 $0x7F, v28;
	v26 =	vld.idx.msk [tilespmem:v26+s12+$0x0], $0xffff;
	[tilespmem:s23+$0x80] =	vst v8  }
0x3d: {  	v8 =	vor.u32 v5, v15;
	v27 =	vld.idx.msk [tilespmem:v27+s12+$0x0], $0xffff;
	v28 =	vbroadcast v28, $0x0;
	[tilespmem:s23+$0x90] =	vst v12  }
0x3e: {  	v12 =	vor.u32 v6, v15;
	v23 =	vld.idx.msk [tilespmem:v23+s12+$0x0], $0xffff;
	[tilespmem:s23+$0xA0] =	vst v14  }
0x3f: {  	v25 =	vld.idx.msk [tilespmem:v25+s12+$0x0], $0xffff;
	v14 =	vor.u32 v0, v28;
	[tilespmem:s23+$0xB0] =	vst v13  }
0x40: {  	v13 =	vor.u32 v7, v28;
	v24 =	vld.idx.msk [tilespmem:v24+s12+$0x0], $0xffff;
	[tilespmem:s23+$0xC0] =	vst v10  }
0x41: {  	v10 =	vor.u32 v1, v28;
	v29 =	vld.idx.msk [tilespmem:v29+s12+$0x0], $0xffff;
	[tilespmem:s23+$0xD0] =	vst v9  }
0x42: {  	v9 =	vor.u32 v2, v28;
	v30 =	vld.idx.msk [tilespmem:v8+s12+$0x0], $0xffff;
	[tilespmem:s23+$0xE0] =	vst v11  }
0x43: {  	s26 =	sadd.s32 $0x2, s24;
	v11 =	vor.u32 v3, v28;
	v31 =	vld.idx.msk [tilespmem:v12+s12+$0x0], $0xffff;
	[tilespmem:s23+$0xFFFFFF00] =	vst v19  }
0x44: {  	v12 =	vmov s26;
	v19 =	vor.u32 v4, v28;
	v8 =	vld.idx.msk [tilespmem:v14+s12+$0x0], $0xffff;
	[tilespmem:s23+$0xFFFFFF10] =	vst v20  }
0x45: {  	v12 =	vand.u32 $0x7E, v12;
	v20 =	vor.u32 v5, v28;
	v32 =	vld.idx.msk [tilespmem:v13+s12+$0x0], $0xffff;
	[tilespmem:s23+$0xFFFFFF20] =	vst v18  }
0x46: {  	v28 =	vor.u32 v6, v28;
	v18 =	vbroadcast v12, $0x0;
	v12 =	vld.idx.msk [tilespmem:v10+s12+$0x0], $0xffff;
	[tilespmem:s23+$0xFFFFFF30] =	vst v16  }
0x47: {  	v15 =	vor.u32 v7, v15;
	v14 =	vld.idx.msk [tilespmem:v9+s12+$0x0], $0xffff;
	[tilespmem:s23+$0xFFFFFF40] =	vst v17  }
0x48: {  	v16 =	vor.u32 v0, v18;
	v13 =	vld.idx.msk [tilespmem:v11+s12+$0x0], $0xffff;
	[tilespmem:s23+$0xFFFFFF50] =	vst v21  }
0x49: {  	v17 =	vor.u32 v1, v18;
	v10 =	vld.idx.msk [tilespmem:v19+s12+$0x0], $0xffff;
	[tilespmem:s23+$0xFFFFFF60] =	vst v22  }
0x4a: {  	v19 =	vor.u32 v2, v18;
	v9 =	vld.idx.msk [tilespmem:v20+s12+$0x0], $0xffff;
	[tilespmem:s23+$0xFFFFFF70] =	vst v26;
	s23 =	sadd.s32 $0x200, s23  }
0x4b: {  	v20 =	vor.u32 v3, v18;
	v11 =	vld.idx.msk [tilespmem:v28+s12+$0x0], $0xffff;
	[tilespmem:s23+$0xF0] =	vst v32  }
0x4c: {  	v21 =	vmov s24;
	s24 =	smov.u32 s25;
	v22 =	vor.u32 v4, v18;
	v15 =	vld.idx.msk [tilespmem:v15+s12+$0x0], $0xffff;
	[tilespmem:s23+$0xFFFFFF80] =	vst v27  }
0x4d: {  	v21 =	vand.u32 $0x7C, v21;
	[tilespmem:s23+$0xFFFFFF90] =	vst v23;
	v16 =	vld.idx.msk [tilespmem:v16+s12+$0x0], $0xffff;
	v23 =	vor.u32 v5, v18  }
0x4e: {  	v21 =	vbroadcast v21, $0x0;
	[tilespmem:s23+$0xFFFFFFA0] =	vst v25;
	v17 =	vld.idx.msk [tilespmem:v17+s12+$0x0], $0xffff;
	v25 =	vor.u32 v6, v18  }
0x4f: {  	v18 =	vor.u32 v7, v18;
	[tilespmem:s23+$0xFFFFFFB0] =	vst v24;
	v24 =	vld.idx.msk [tilespmem:v19+s12+$0x0], $0xffff  }
0x50: {  	v19 =	vor.u32 v0, v21;
	[tilespmem:s23+$0xFFFFFFC0] =	vst v29;
	v27 =	vld.idx.msk [tilespmem:v20+s12+$0x0], $0xffff  }
0x51: {  	v20 =	vor.u32 v1, v21;
	[tilespmem:s23+$0xFFFFFFD0] =	vst v30;
	v22 =	vld.idx.msk [tilespmem:v22+s12+$0x0], $0xffff  }
0x52: {  	v26 =	vor.u32 v2, v21;
	[tilespmem:s23+$0xFFFFFFE0] =	vst v31;
	v28 =	vld.idx.msk [tilespmem:v23+s12+$0x0], $0xffff  }
0x53: {  	s26 =	sadd.s32 $0x1, s25;
	v23 =	vor.u32 v3, v21;
	[tilespmem:s23+$0xFFFFFFF0] =	vst v15;
	v29 =	vld.idx.msk [tilespmem:v25+s12+$0x0], $0xffff  }
0x54: {  	v15 =	vmov s26;
	v25 =	vor.u32 v4, v21;
	v30 =	vld.idx.msk [tilespmem:v18+s12+$0x0], $0xffff;
	[tilespmem:s23+$0x0] =	vst v16  }
0x55: {  	v31 =	vor.u32 v5, v21;
	v15 =	vand.u32 $0x7D, v15;
	v19 =	vld.idx.msk [tilespmem:v19+s12+$0x0], $0xffff;
	[tilespmem:s23+$0x10] =	vst v17  }
0x56: {  	v32 =	vor.u32 v6, v21;
	v15 =	vbroadcast v15, $0x0;
	v20 =	vld.idx.msk [tilespmem:v20+s12+$0x0], $0xffff;
	[tilespmem:s23+$0x20] =	vst v24  }
.Ltmp0:
0x57: {  	v18 =	vld.idx.msk [tilespmem:v26+s12+$0x0], $0xffff;
	v26 =	vor.u32 v7, v21;
	[tilespmem:s23+$0x30] =	vst v27;
	(pc) =	sbr.rel @p0 .LBB2_3-.Ltmp0, $4  }
0x58: {  	v27 =	vor.u32 v0, v15;
	v16 =	vld.idx.msk [tilespmem:v23+s12+$0x0], $0xffff;
	[tilespmem:s23+$0x40] =	vst v22  }
0x59: {  	v23 =	vor.u32 v1, v15;
	v17 =	vld.idx.msk [tilespmem:v25+s12+$0x0], $0xffff;
	[tilespmem:s23+$0x50] =	vst v28  }
0x5a: {  	s26 =	sadd.s32 $0x3, s25;
	v25 =	vor.u32 v2, v15;
	v21 =	vld.idx.msk [tilespmem:v31+s12+$0x0], $0xffff;
	[tilespmem:s23+$0x60] =	vst v29  }
0x5b: {  	s25 =	sadd.s32 $0x4, s25;
	v24 =	vor.u32 v3, v15;
	v28 =	vmov s26;
	v22 =	vld.idx.msk [tilespmem:v32+s12+$0x0], $0xffff;
	[tilespmem:s23+$0x70] =	vst v30  }
0x5c: {  	_ = 	snop  }
0x5d: {  	[tilespmem:s23+$0x80] =	vst v8  }
0x5e: {  	[tilespmem:s23+$0x90] =	vst v12  }
0x5f: {  	[tilespmem:s23+$0xA0] =	vst v14  }
0x60: {  	v29 =	vor.u32 v4, v15;
	v26 =	vld.idx.msk [tilespmem:v26+s12+$0x0], $0xffff;
	[tilespmem:s23+$0xB0] =	vst v13  }
0x61: {  	v28 =	vand.u32 $0x7F, v28;
	v8 =	vld.idx.msk [tilespmem:v27+s12+$0x0], $0xffff;
	v27 =	vor.u32 v5, v15;
	[tilespmem:s23+$0xC0] =	vst v10  }
0x62: {  	v12 =	vld.idx.msk [tilespmem:v23+s12+$0x0], $0xffff;
	v23 =	vor.u32 v6, v15;
	[tilespmem:s23+$0xD0] =	vst v9;
	v28 =	vbroadcast v28, $0x0  }
0x63: {  	v14 =	vld.idx.msk [tilespmem:v25+s12+$0x0], $0xffff;
	[tilespmem:s23+$0xE0] =	vst v11;
	v15 =	vor.u32 v7, v15  }
0x64: {  	v13 =	vld.idx.msk [tilespmem:v24+s12+$0x0], $0xffff;
	[tilespmem:s23+$0xFFFFFF00] =	vst v19;
	v25 =	vor.u32 v0, v28  }
0x65: {  	s25 =	sadd.s32 $0x2, s24;
	[tilespmem:s23+$0xFFFFFF10] =	vst v20;
	v24 =	vor.u32 v7, v28;
	v10 =	vld.idx.msk [tilespmem:v29+s12+$0x0], $0xffff  }
0x66: {  	[tilespmem:s23+$0xFFFFFF20] =	vst v18;
	v19 =	vmov s25;
	v20 =	vor.u32 v5, v28;
	v9 =	vld.idx.msk [tilespmem:v27+s12+$0x0], $0xffff  }
0x67: {  	[tilespmem:s23+$0xFFFFFF30] =	vst v16;
	v19 =	vand.u32 $0x7E, v19;
	v29 =	vor.u32 v1, v28;
	v11 =	vld.idx.msk [tilespmem:v23+s12+$0x0], $0xffff  }
0x68: {  	[tilespmem:s23+$0xFFFFFF40] =	vst v17;
	v18 =	vbroadcast v19, $0x0;
	v27 =	vor.u32 v2, v28;
	v15 =	vld.idx.msk [tilespmem:v15+s12+$0x0], $0xffff  }
0x69: {  	[tilespmem:s23+$0xFFFFFF50] =	vst v21;
	v23 =	vor.u32 v3, v28;
	v25 =	vld.idx.msk [tilespmem:v25+s12+$0x0], $0xffff  }
0x6a: {  	[tilespmem:s23+$0xFFFFFF60] =	vst v22;
	v17 =	vor.u32 v0, v18;
	v24 =	vld.idx.msk [tilespmem:v24+s12+$0x0], $0xffff  }
0x6b: {  	s30 =	sadd.s32 $0x200, s23;
	v30 =	vor.u32 v4, v28;
	[tilespmem:s23+$0xFFFFFF70] =	vst v26;
	v20 =	vld.idx.msk [tilespmem:v20+s12+$0x0], $0xffff  }
0x6c: {  	v21 =	vor.u32 v1, v18;
	[tilespmem:s30+$0xFFFFFF80] =	vst v8;
	v19 =	vld.idx.msk [tilespmem:v29+s12+$0x0], $0xffff  }
0x6d: {  	v28 =	vor.u32 v6, v28;
	[tilespmem:s30+$0xFFFFFF90] =	vst v12;
	v16 =	vld.idx.msk [tilespmem:v27+s12+$0x0], $0xffff  }
0x6e: {  	v22 =	vor.u32 v2, v18;
	[tilespmem:s30+$0xFFFFFFA0] =	vst v14;
	v23 =	vld.idx.msk [tilespmem:v23+s12+$0x0], $0xffff  }
0x6f: {  	[tilespmem:s30+$0xFFFFFFB0] =	vst v13;
	v8 =	vld.idx.msk [tilespmem:v17+s12+$0x0], $0xffff;
	v17 =	vor.u32 v5, v18  }
0x70: {  	v26 =	vor.u32 v3, v18;
	v27 =	vld.idx.msk [tilespmem:v30+s12+$0x0], $0xffff;
	[tilespmem:s30+$0xFFFFFFC0] =	vst v10  }
0x71: {  	v12 =	vld.idx.msk [tilespmem:v21+s12+$0x0], $0xffff;
	v21 =	vor.u32 v6, v18;
	[tilespmem:s30+$0xFFFFFFD0] =	vst v9  }
0x72: {  	v28 =	vld.idx.msk [tilespmem:v28+s12+$0x0], $0xffff;
	[tilespmem:s30+$0xF0] =	vst v24;
	v24 =	vor.u32 v4, v18  }
0x73: {  	v14 =	vld.idx.msk [tilespmem:v22+s12+$0x0], $0xffff;
	[tilespmem:s30+$0xFFFFFFE0] =	vst v11;
	v18 =	vor.u32 v7, v18  }
0x74: {  	[tilespmem:s30+$0xFFFFFFF0] =	vst v15;
	v9 =	vld.idx.msk [tilespmem:v17+s12+$0x0], $0xffff;
	v17 =	vmov s24  }
0x75: {  	v13 =	vld.idx.msk [tilespmem:v26+s12+$0x0], $0xffff;
	[tilespmem:s30+$0x80] =	vst v25;
	v17 =	vand.u32 $0x7C, v17  }
0x76: {  	[tilespmem:s30+$0xD0] =	vst v20;
	v11 =	vld.idx.msk [tilespmem:v21+s12+$0x0], $0xffff;
	v17 =	vbroadcast v17, $0x0  }
0x77: {  	[tilespmem:s30+$0x90] =	vst v19;
	v10 =	vld.idx.msk [tilespmem:v24+s12+$0x0], $0xffff  }
0x78: {  	v15 =	vld.idx.msk [tilespmem:v18+s12+$0x0], $0xffff;
	[tilespmem:s30+$0x0] =	vst v8;
	v8 =	vor.u32 v0, v17  }
0x79: {  	[tilespmem:s30+$0x10] =	vst v12;
	v12 =	vor.u32 v1, v17  }
0x7a: {  	[tilespmem:s30+$0x30] =	vst v13;
	v13 =	vor.u32 v2, v17  }
0x7b: {  	[tilespmem:s30+$0x20] =	vst v14;
	v14 =	vor.u32 v6, v17  }
0x7c: {  	[tilespmem:s30+$0x50] =	vst v9;
	v9 =	vor.u32 v4, v17  }
0x7d: {  	[tilespmem:s30+$0x60] =	vst v11;
	v11 =	vor.u32 v5, v17;
	v8 =	vld.idx.msk [tilespmem:v8+s12+$0x0], $0xffff  }
0x7e: {  	[tilespmem:s30+$0x40] =	vst v10;
	v10 =	vor.u32 v3, v17;
	v12 =	vld.idx.msk [tilespmem:v12+s12+$0x0], $0xffff  }
0x7f: {  	[tilespmem:s30+$0x70] =	vst v15;
	v15 =	vor.u32 v7, v17;
	v13 =	vld.idx.msk [tilespmem:v13+s12+$0x0], $0xffff  }
0x80: {  	[tilespmem:s30+$0xA0] =	vst v16;
	v14 =	vld.idx.msk [tilespmem:v14+s12+$0x0], $0xffff  }
0x81: {  	[tilespmem:s30+$0xB0] =	vst v23;
	v9 =	vld.idx.msk [tilespmem:v9+s12+$0x0], $0xffff  }
0x82: {  	[tilespmem:s30+$0xC0] =	vst v27;
	v11 =	vld.idx.msk [tilespmem:v11+s12+$0x0], $0xffff  }
0x83: {  	[tilespmem:s30+$0xE0] =	vst v28;
	v10 =	vld.idx.msk [tilespmem:v10+s12+$0x0], $0xffff  }
0x84: {  	v15 =	vld.idx.msk [tilespmem:v15+s12+$0x0], $0xffff;
	[tilespmem:s30+$0xFFFFFF00] =	vst v8  }
0x85: {  	[tilespmem:s30+$0xFFFFFF10] =	vst v12  }
0x86: {  	[tilespmem:s30+$0xFFFFFF20] =	vst v13  }
0x87: {  	[tilespmem:s30+$0xFFFFFF60] =	vst v14  }
0x88: {  	s31 =	sshll.u32 s21, $0x13;
	[tilespmem:s30+$0xFFFFFF40] =	vst v9  }
0x89: {  	s24 =	sor.u32 s4, s31;
	[tilespmem:s30+$0xFFFFFF50] =	vst v11  }
0x8a: {  	s24 =	sshrl.u32 s24, $0x3;
	[tilespmem:s30+$0xFFFFFF30] =	vst v10  }
0x8b: {  	p0 =	seq.s32 s21, $0x63;
	s24 =	sadd.s32 s1, s24;
	[tilespmem:s30+$0xFFFFFF70] =	vst v15  }
0x8c: {  	[hbm4b:s24+s8] =	stream.strided.scatter [tilespmem:s15], [sflag:$0x3], $0x2000, s9, s8, $0x38;
	[tilespmem:$0x12400] =	vst v63  }
0x8d: {  	s23 =	sshll.u32 @!p0 s21, $0x8;
	_ =	swait.ge [sflag:s16], $0x4000  }
0x8e: {  	s25 =	simm.s32 @!p0 $0x6400;
	s23 =	sand.u32 @!p0 $0x3FFFFF00, s23;
	[sflag:s16] =	ssyncset.done $0x0  }
0x8f: {  	s23 =	sadd.s32 @!p0 $0x100, s23;
	s24 =	simm.s32 @!p0 $0x80;
	[sflag:s16] =	ssyncadd.s32 $0xFFFFC000  }
0x90: {  	[tilespmem:s25], [sflag:$0x1] =	stream.indirect.gather @!p0 [hbm4b:s5+s24], $0x80, s23, s24, $0xb8;
	[tilespmem:$0x12400] =	vst v63  }
0x91: {  	s25 =	simm.s32 $0x1  }
0x92: {  	v8 =	vmov s25  }
0x93: {  	v8 =	vand.u32 $0x7D, v8  }
0x94: {  	v9 =	vbroadcast v8, $0x0;
	_ =	sdelay $0x1  }
0x95: {  	s26 =	simm.s32 $0x3;
	p1 =	seq.s32 @!p0 s21, $0x0;
	v8 =	vor.u32 v0, v9  }
0x96: {  	v13 =	vmov s26;
	p0 =	por p0, !p1;
	v10 =	vor.u32 v1, v9  }
0x97: {  	v13 =	vand.u32 $0x7F, v13;
	_ =	swait.ge @p0 [sflag:s19], $0x2000;
	v11 =	vor.u32 v2, v9  }
0x98: {  	v13 =	vbroadcast v13, $0x0;
	[sflag:s19] =	ssyncset.done @p0 $0x0;
	v12 =	vor.u32 v3, v9  }
0x99: {  	[sflag:s19] =	ssyncadd.s32 @p0 $0xFFFFE000;
	v14 =	vor.u32 v4, v9  }
0x9a: {  	v24 =	vor.u32 v5, v13;
	v15 =	vld.idx.msk [tilespmem:v8+s14+$0x0], $0xffff  }
0x9b: {  	v8 =	vor.u32 v5, v9;
	v16 =	vld.idx.msk [tilespmem:v10+s14+$0x0], $0xffff  }
0x9c: {  	v10 =	vor.u32 v6, v9;
	v17 =	vld.idx.msk [tilespmem:v11+s14+$0x0], $0xffff  }
0x9d: {  	v11 =	vor.u32 v0, v13;
	v18 =	vld.idx.msk [tilespmem:v12+s14+$0x0], $0xffff  }
0x9e: {  	v12 =	vor.u32 v7, v13;
	v19 =	vld.idx.msk [tilespmem:v14+s14+$0x0], $0xffff  }
0x9f: {  	v27 =	vor.u32 v7, v9;
	v14 =	vor.u32 v1, v13;
	v9 =	vld.idx.msk [tilespmem:v24+s14+$0x0], $0xffff  }
0xa0: {  	s28 =	simm.s32 $0x2;
	v21 =	vor.u32 v2, v13;
	v20 =	vld.idx.msk [tilespmem:v8+s14+$0x0], $0xffff  }
0xa1: {  	v23 =	vmov s28;
	v22 =	vld.idx.msk [tilespmem:v10+s14+$0x0], $0xffff;
	v10 =	vor.u32 v3, v13  }
0xa2: {  	v23 =	vand.u32 $0x7E, v23;
	v8 =	vld.idx.msk [tilespmem:v11+s14+$0x0], $0xffff;
	v11 =	vor.u32 v4, v13  }
0xa3: {  	v23 =	vbroadcast v23, $0x0;
	v26 =	vor.u32 v6, v13;
	v25 =	vld.idx.msk [tilespmem:v12+s14+$0x0], $0xffff  }
0xa4: {  	v12 =	vld.idx.msk [tilespmem:v14+s14+$0x0], $0xffff  }
0xa5: {  	v14 =	vld.idx.msk [tilespmem:v21+s14+$0x0], $0xffff;
	v21 =	vor.u32 v0, v23  }
0xa6: {  	v28 =	vor.u32 v1, v23;
	v13 =	vld.idx.msk [tilespmem:v10+s14+$0x0], $0xffff  }
0xa7: {  	s23 =	simm.s32 $0x10500;
	v24 =	vor.u32 v3, v23;
	v10 =	vld.idx.msk [tilespmem:v11+s14+$0x0], $0xffff  }
0xa8: {  	s29 =	simm.s32 $0x0;
	v29 =	vor.u32 v2, v23;
	v11 =	vld.idx.msk [tilespmem:v26+s14+$0x0], $0xffff;
	[tilespmem:s23+$0xF0] =	vst v25  }
0xa9: {  	v25 =	vld.idx.msk [tilespmem:v27+s14+$0x0], $0xffff;
	v26 =	vor.u32 v4, v23;
	v27 =	vmov s29;
	[tilespmem:s23+$0xFFFFFF80] =	vst v15  }
0xaa: {  	v15 =	vld.idx.msk [tilespmem:v21+s14+$0x0], $0xffff;
	v21 =	vor.u32 v5, v23;
	[tilespmem:s23+$0xFFFFFF90] =	vst v16;
	v27 =	vand.u32 $0x7C, v27  }
0xab: {  	v16 =	vld.idx.msk [tilespmem:v28+s14+$0x0], $0xffff;
	v28 =	vor.u32 v6, v23;
	[tilespmem:s23+$0xFFFFFFA0] =	vst v17;
	v27 =	vbroadcast v27, $0x0  }
0xac: {  	v24 =	vld.idx.msk [tilespmem:v24+s14+$0x0], $0xffff;
	v23 =	vor.u32 v7, v23;
	[tilespmem:s23+$0xFFFFFFB0] =	vst v18  }
0xad: {  	v17 =	vld.idx.msk [tilespmem:v29+s14+$0x0], $0xffff;
	[tilespmem:s23+$0xFFFFFFC0] =	vst v19;
	v18 =	vor.u32 v0, v27  }
0xae: {  	[tilespmem:s23+$0xFFFFFFD0] =	vst v20;
	v29 =	vor.u32 v1, v27;
	v26 =	vld.idx.msk [tilespmem:v26+s14+$0x0], $0xffff  }
0xaf: {  	[tilespmem:s23+$0xFFFFFFE0] =	vst v22;
	v30 =	vor.u32 v2, v27;
	v21 =	vld.idx.msk [tilespmem:v21+s14+$0x0], $0xffff  }
0xb0: {  	s30 =	simm.s32 $0x5;
	v22 =	vld.idx.msk [tilespmem:v28+s14+$0x0], $0xffff;
	v28 =	vor.u32 v3, v27;
	[tilespmem:s23+$0xFFFFFFF0] =	vst v25  }
0xb1: {  	v31 =	vld.idx.msk [tilespmem:v23+s14+$0x0], $0xffff;
	v23 =	vor.u32 v4, v27;
	[tilespmem:s23+$0x0] =	vst v15;
	v15 =	vmov s30  }
0xb2: {  	v25 =	vor.u32 v5, v27;
	[tilespmem:s23+$0x10] =	vst v16;
	v15 =	vand.u32 $0x7D, v15;
	v19 =	vld.idx.msk [tilespmem:v18+s14+$0x0], $0xffff  }
0xb3: {  	[tilespmem:s23+$0x20] =	vst v17;
	v15 =	vbroadcast v15, $0x0;
	v20 =	vld.idx.msk [tilespmem:v29+s14+$0x0], $0xffff;
	v29 =	vor.u32 v6, v27  }
0xb4: {  	v18 =	vld.idx.msk [tilespmem:v30+s14+$0x0], $0xffff;
	[tilespmem:s23+$0x40] =	vst v26;
	v26 =	vor.u32 v7, v27  }
0xb5: {  	[tilespmem:s23+$0x30] =	vst v24;
	v16 =	vld.idx.msk [tilespmem:v28+s14+$0x0], $0xffff;
	v27 =	vor.u32 v0, v15  }
0xb6: {  	v17 =	vld.idx.msk [tilespmem:v23+s14+$0x0], $0xffff;
	[tilespmem:s23+$0x50] =	vst v21;
	v23 =	vor.u32 v1, v15  }
0xb7: {  	s31 =	simm.s32 $0x7;
	v21 =	vld.idx.msk [tilespmem:v25+s14+$0x0], $0xffff;
	[tilespmem:s23+$0x60] =	vst v22;
	v25 =	vor.u32 v2, v15  }
0xb8: {  	s24 =	simm.s32 $0x4;
	s25 =	simm.s32 $0x8;
	v24 =	vor.u32 v3, v15;
	v28 =	vmov s31;
	[tilespmem:s23+$0x70] =	vst v31;
	v22 =	vld.idx.msk [tilespmem:v29+s14+$0x0], $0xffff  }
.LBB2_5:
0xb9: {  	p0 =	slt.u32 s25, $0x3C;
	v29 =	vor.u32 v4, v15;
	v28 =	vand.u32 $0x7F, v28;
	v26 =	vld.idx.msk [tilespmem:v26+s14+$0x0], $0xffff;
	[tilespmem:s23+$0x80] =	vst v8  }
0xba: {  	v8 =	vor.u32 v5, v15;
	v27 =	vld.idx.msk [tilespmem:v27+s14+$0x0], $0xffff;
	v28 =	vbroadcast v28, $0x0;
	[tilespmem:s23+$0x90] =	vst v12  }
0xbb: {  	v12 =	vor.u32 v6, v15;
	v23 =	vld.idx.msk [tilespmem:v23+s14+$0x0], $0xffff;
	[tilespmem:s23+$0xA0] =	vst v14  }
0xbc: {  	v25 =	vld.idx.msk [tilespmem:v25+s14+$0x0], $0xffff;
	v14 =	vor.u32 v0, v28;
	[tilespmem:s23+$0xB0] =	vst v13  }
0xbd: {  	v13 =	vor.u32 v7, v28;
	v24 =	vld.idx.msk [tilespmem:v24+s14+$0x0], $0xffff;
	[tilespmem:s23+$0xC0] =	vst v10  }
0xbe: {  	v10 =	vor.u32 v1, v28;
	v29 =	vld.idx.msk [tilespmem:v29+s14+$0x0], $0xffff;
	[tilespmem:s23+$0xD0] =	vst v9  }
0xbf: {  	v9 =	vor.u32 v2, v28;
	v30 =	vld.idx.msk [tilespmem:v8+s14+$0x0], $0xffff;
	[tilespmem:s23+$0xE0] =	vst v11  }
0xc0: {  	s26 =	sadd.s32 $0x2, s24;
	v11 =	vor.u32 v3, v28;
	v31 =	vld.idx.msk [tilespmem:v12+s14+$0x0], $0xffff;
	[tilespmem:s23+$0xFFFFFF00] =	vst v19  }
0xc1: {  	v12 =	vmov s26;
	v19 =	vor.u32 v4, v28;
	v8 =	vld.idx.msk [tilespmem:v14+s14+$0x0], $0xffff;
	[tilespmem:s23+$0xFFFFFF10] =	vst v20  }
0xc2: {  	v12 =	vand.u32 $0x7E, v12;
	v20 =	vor.u32 v5, v28;
	v32 =	vld.idx.msk [tilespmem:v13+s14+$0x0], $0xffff;
	[tilespmem:s23+$0xFFFFFF20] =	vst v18  }
0xc3: {  	v28 =	vor.u32 v6, v28;
	v18 =	vbroadcast v12, $0x0;
	v12 =	vld.idx.msk [tilespmem:v10+s14+$0x0], $0xffff;
	[tilespmem:s23+$0xFFFFFF30] =	vst v16  }
0xc4: {  	v15 =	vor.u32 v7, v15;
	v14 =	vld.idx.msk [tilespmem:v9+s14+$0x0], $0xffff;
	[tilespmem:s23+$0xFFFFFF40] =	vst v17  }
0xc5: {  	v16 =	vor.u32 v0, v18;
	v13 =	vld.idx.msk [tilespmem:v11+s14+$0x0], $0xffff;
	[tilespmem:s23+$0xFFFFFF50] =	vst v21  }
0xc6: {  	v17 =	vor.u32 v1, v18;
	v10 =	vld.idx.msk [tilespmem:v19+s14+$0x0], $0xffff;
	[tilespmem:s23+$0xFFFFFF60] =	vst v22  }
0xc7: {  	v19 =	vor.u32 v2, v18;
	v9 =	vld.idx.msk [tilespmem:v20+s14+$0x0], $0xffff;
	[tilespmem:s23+$0xFFFFFF70] =	vst v26;
	s23 =	sadd.s32 $0x200, s23  }
0xc8: {  	v20 =	vor.u32 v3, v18;
	v11 =	vld.idx.msk [tilespmem:v28+s14+$0x0], $0xffff;
	[tilespmem:s23+$0xF0] =	vst v32  }
0xc9: {  	v21 =	vmov s24;
	s24 =	smov.u32 s25;
	v22 =	vor.u32 v4, v18;
	v15 =	vld.idx.msk [tilespmem:v15+s14+$0x0], $0xffff;
	[tilespmem:s23+$0xFFFFFF80] =	vst v27  }
0xca: {  	v21 =	vand.u32 $0x7C, v21;
	[tilespmem:s23+$0xFFFFFF90] =	vst v23;
	v16 =	vld.idx.msk [tilespmem:v16+s14+$0x0], $0xffff;
	v23 =	vor.u32 v5, v18  }
0xcb: {  	v21 =	vbroadcast v21, $0x0;
	[tilespmem:s23+$0xFFFFFFA0] =	vst v25;
	v17 =	vld.idx.msk [tilespmem:v17+s14+$0x0], $0xffff;
	v25 =	vor.u32 v6, v18  }
0xcc: {  	v18 =	vor.u32 v7, v18;
	[tilespmem:s23+$0xFFFFFFB0] =	vst v24;
	v24 =	vld.idx.msk [tilespmem:v19+s14+$0x0], $0xffff  }
0xcd: {  	v19 =	vor.u32 v0, v21;
	[tilespmem:s23+$0xFFFFFFC0] =	vst v29;
	v27 =	vld.idx.msk [tilespmem:v20+s14+$0x0], $0xffff  }
0xce: {  	v20 =	vor.u32 v1, v21;
	[tilespmem:s23+$0xFFFFFFD0] =	vst v30;
	v22 =	vld.idx.msk [tilespmem:v22+s14+$0x0], $0xffff  }
0xcf: {  	v26 =	vor.u32 v2, v21;
	[tilespmem:s23+$0xFFFFFFE0] =	vst v31;
	v28 =	vld.idx.msk [tilespmem:v23+s14+$0x0], $0xffff  }
0xd0: {  	s26 =	sadd.s32 $0x1, s25;
	v23 =	vor.u32 v3, v21;
	[tilespmem:s23+$0xFFFFFFF0] =	vst v15;
	v29 =	vld.idx.msk [tilespmem:v25+s14+$0x0], $0xffff  }
0xd1: {  	v15 =	vmov s26;
	v25 =	vor.u32 v4, v21;
	v30 =	vld.idx.msk [tilespmem:v18+s14+$0x0], $0xffff;
	[tilespmem:s23+$0x0] =	vst v16  }
0xd2: {  	v31 =	vor.u32 v5, v21;
	v15 =	vand.u32 $0x7D, v15;
	v19 =	vld.idx.msk [tilespmem:v19+s14+$0x0], $0xffff;
	[tilespmem:s23+$0x10] =	vst v17  }
0xd3: {  	v32 =	vor.u32 v6, v21;
	v15 =	vbroadcast v15, $0x0;
	v20 =	vld.idx.msk [tilespmem:v20+s14+$0x0], $0xffff;
	[tilespmem:s23+$0x20] =	vst v24  }
.Ltmp1:
0xd4: {  	v18 =	vld.idx.msk [tilespmem:v26+s14+$0x0], $0xffff;
	v26 =	vor.u32 v7, v21;
	[tilespmem:s23+$0x30] =	vst v27;
	(pc) =	sbr.rel @p0 .LBB2_5-.Ltmp1, $4  }
0xd5: {  	v27 =	vor.u32 v0, v15;
	v16 =	vld.idx.msk [tilespmem:v23+s14+$0x0], $0xffff;
	[tilespmem:s23+$0x40] =	vst v22  }
0xd6: {  	v23 =	vor.u32 v1, v15;
	v17 =	vld.idx.msk [tilespmem:v25+s14+$0x0], $0xffff;
	[tilespmem:s23+$0x50] =	vst v28  }
0xd7: {  	s26 =	sadd.s32 $0x3, s25;
	v25 =	vor.u32 v2, v15;
	v21 =	vld.idx.msk [tilespmem:v31+s14+$0x0], $0xffff;
	[tilespmem:s23+$0x60] =	vst v29  }
0xd8: {  	s25 =	sadd.s32 $0x4, s25;
	v24 =	vor.u32 v3, v15;
	v28 =	vmov s26;
	v22 =	vld.idx.msk [tilespmem:v32+s14+$0x0], $0xffff;
	[tilespmem:s23+$0x70] =	vst v30  }
0xd9: {  	[tilespmem:s23+$0x80] =	vst v8  }
0xda: {  	[tilespmem:s23+$0x90] =	vst v12  }
0xdb: {  	[tilespmem:s23+$0xA0] =	vst v14  }
0xdc: {  	[tilespmem:s23+$0xB0] =	vst v13  }
0xdd: {  	[tilespmem:s23+$0xC0] =	vst v10  }
0xde: {  	[tilespmem:s23+$0xD0] =	vst v9  }
0xdf: {  	[tilespmem:s23+$0xE0] =	vst v11  }
0xe0: {  	v29 =	vor.u32 v4, v15;
	v26 =	vld.idx.msk [tilespmem:v26+s14+$0x0], $0xffff;
	[tilespmem:s23+$0xFFFFFF00] =	vst v19  }
0xe1: {  	v28 =	vand.u32 $0x7F, v28;
	v8 =	vld.idx.msk [tilespmem:v27+s14+$0x0], $0xffff;
	v53 =	vor.u32 v5, v15;
	[tilespmem:s23+$0xFFFFFF10] =	vst v20  }
0xe2: {  	v54 =	vld.idx.msk [tilespmem:v23+s14+$0x0], $0xffff;
	v55 =	vor.u32 v6, v15;
	[tilespmem:s23+$0xFFFFFF20] =	vst v18;
	v28 =	vbroadcast v28, $0x0  }
0xe3: {  	v56 =	vld.idx.msk [tilespmem:v25+s14+$0x0], $0xffff;
	v39 =	vor.u32 v7, v15;
	[tilespmem:s23+$0xFFFFFF30] =	vst v16  }
0xe4: {  	v58 =	vld.idx.msk [tilespmem:v24+s14+$0x0], $0xffff;
	[tilespmem:s23+$0xFFFFFF40] =	vst v17;
	v57 =	vor.u32 v0, v28  }
0xe5: {  	v59 =	vor.u32 v7, v28;
	[tilespmem:s23+$0xFFFFFF50] =	vst v21;
	v60 =	vld.idx.msk [tilespmem:v29+s14+$0x0], $0xffff  }
0xe6: {  	v61 =	vor.u32 v1, v28;
	[tilespmem:s23+$0xFFFFFF60] =	vst v22;
	v62 =	vld.idx.msk [tilespmem:v53+s14+$0x0], $0xffff  }
0xe7: {  	s25 =	sadd.s32 $0x2, s24;
	s31 =	sadd.s32 $0x200, s23;
	v63 =	vor.u32 v2, v28;
	v33 =	vld.idx.msk [tilespmem:v55+s14+$0x0], $0xffff;
	[tilespmem:s23+$0xFFFFFF70] =	vst v26  }
0xe8: {  	v35 =	vmov s25;
	v34 =	vor.u32 v3, v28;
	v15 =	vld.idx.msk [tilespmem:v39+s14+$0x0], $0xffff;
	[tilespmem:s31+$0xFFFFFF80] =	vst v8  }
0xe9: {  	v19 =	vand.u32 $0x7E, v35;
	v30 =	vor.u32 v4, v28;
	[tilespmem:s31+$0xFFFFFF90] =	vst v54;
	v25 =	vld.idx.msk [tilespmem:v57+s14+$0x0], $0xffff  }
0xea: {  	v36 =	vor.u32 v5, v28;
	v37 =	vbroadcast v19, $0x0;
	[tilespmem:s31+$0xFFFFFFA0] =	vst v56;
	v24 =	vld.idx.msk [tilespmem:v59+s14+$0x0], $0xffff  }
0xeb: {  	v28 =	vor.u32 v6, v28;
	[tilespmem:s31+$0xFFFFFFB0] =	vst v58;
	v38 =	vld.idx.msk [tilespmem:v61+s14+$0x0], $0xffff  }
0xec: {  	v41 =	vor.u32 v0, v37;
	v40 =	vld.idx.msk [tilespmem:v63+s14+$0x0], $0xffff;
	[tilespmem:s31+$0xFFFFFFC0] =	vst v60  }
0xed: {  	v42 =	vor.u32 v1, v37;
	v23 =	vld.idx.msk [tilespmem:v34+s14+$0x0], $0xffff;
	[tilespmem:s31+$0xFFFFFFD0] =	vst v62  }
0xee: {  	v44 =	vor.u32 v2, v37;
	v43 =	vld.idx.msk [tilespmem:v30+s14+$0x0], $0xffff;
	[tilespmem:s31+$0xFFFFFFE0] =	vst v33  }
0xef: {  	v45 =	vor.u32 v3, v37;
	v20 =	vld.idx.msk [tilespmem:v36+s14+$0x0], $0xffff;
	[tilespmem:s31+$0xFFFFFFF0] =	vst v15  }
0xf0: {  	v46 =	vor.u32 v4, v37;
	v54 =	vmov s24;
	v28 =	vld.idx.msk [tilespmem:v28+s14+$0x0], $0xffff;
	[tilespmem:s31+$0xF0] =	vst v24  }
0xf1: {  	v47 =	vor.u32 v5, v37;
	v17 =	vand.u32 $0x7C, v54;
	v8 =	vld.idx.msk [tilespmem:v41+s14+$0x0], $0xffff;
	[tilespmem:s31+$0x80] =	vst v25  }
0xf2: {  	v49 =	vor.u32 v6, v37;
	v17 =	vbroadcast v17, $0x0;
	v48 =	vld.idx.msk [tilespmem:v42+s14+$0x0], $0xffff;
	[tilespmem:s31+$0x90] =	vst v38  }
0xf3: {  	v18 =	vor.u32 v7, v37;
	v50 =	vld.idx.msk [tilespmem:v44+s14+$0x0], $0xffff;
	[tilespmem:s31+$0xA0] =	vst v40  }
0xf4: {  	v57 =	vor.u32 v1, v17;
	v51 =	vld.idx.msk [tilespmem:v45+s14+$0x0], $0xffff;
	[tilespmem:s31+$0xB0] =	vst v23  }
0xf5: {  	v58 =	vor.u32 v2, v17;
	v52 =	vld.idx.msk [tilespmem:v46+s14+$0x0], $0xffff;
	[tilespmem:s31+$0xC0] =	vst v43  }
0xf6: {  	v59 =	vor.u32 v3, v17;
	v53 =	vld.idx.msk [tilespmem:v47+s14+$0x0], $0xffff;
	[tilespmem:s31+$0xD0] =	vst v20  }
0xf7: {  	v61 =	vor.u32 v5, v17;
	v55 =	vld.idx.msk [tilespmem:v49+s14+$0x0], $0xffff;
	[tilespmem:s31+$0xE0] =	vst v28  }
0xf8: {  	v63 =	vor.u32 v7, v17;
	v56 =	vld.idx.msk [tilespmem:v18+s14+$0x0], $0xffff;
	[tilespmem:s31+$0x0] =	vst v8  }
0xf9: {  	v60 =	vor.u32 v4, v17;
	v12 =	vld.idx.msk [tilespmem:v57+s14+$0x0], $0xffff;
	[tilespmem:s31+$0x10] =	vst v48  }
0xfa: {  	v62 =	vor.u32 v6, v17;
	v13 =	vld.idx.msk [tilespmem:v58+s14+$0x0], $0xffff;
	[tilespmem:s31+$0x20] =	vst v50  }
0xfb: {  	v10 =	vld.idx.msk [tilespmem:v59+s14+$0x0], $0xffff;
	v8 =	vor.u32 v0, v17;
	[tilespmem:s31+$0x30] =	vst v51  }
0xfc: {  	v11 =	vld.idx.msk [tilespmem:v61+s14+$0x0], $0xffff;
	[tilespmem:s31+$0x40] =	vst v52  }
0xfd: {  	v15 =	vld.idx.msk [tilespmem:v63+s14+$0x0], $0xffff;
	[tilespmem:s31+$0x50] =	vst v53  }
0xfe: {  	[tilespmem:s31+$0x60] =	vst v55;
	v9 =	vld.idx.msk [tilespmem:v60+s14+$0x0], $0xffff  }
0xff: {  	[tilespmem:s31+$0x70] =	vst v56;
	v14 =	vld.idx.msk [tilespmem:v62+s14+$0x0], $0xffff  }
0x100: {  	v8 =	vld.idx.msk [tilespmem:v8+s14+$0x0], $0xffff;
	[tilespmem:s31+$0xFFFFFF10] =	vst v12  }
0x101: {  	[tilespmem:s31+$0xFFFFFF20] =	vst v13  }
0x102: {  	s21 =	sadd.s32 $0x1, s21;
	[tilespmem:s31+$0xFFFFFF30] =	vst v10  }
0x103: {  	p0 =	sne.s32 s21, $0x64;
	[tilespmem:s31+$0xFFFFFF40] =	vst v9  }
.Ltmp2:
0x104: {  	s22 =	sshll.u32 s22, $0x12;
	[tilespmem:s31+$0xFFFFFF50] =	vst v11;
	(pc) =	sbr.rel @p0 .LBB2_2-.Ltmp2, $4  }
0x105: {  	s22 =	sor.u32 s4, s22;
	[tilespmem:s31+$0xFFFFFF60] =	vst v14  }
0x106: {  	s22 =	sshrl.u32 s22, $0x3;
	[tilespmem:s31+$0xFFFFFF70] =	vst v15  }
0x107: {  	s22 =	sadd.s32 s1, s22;
	[tilespmem:s31+$0xFFFFFF00] =	vst v8  }
0x108: {  	[hbm4b:s22+s8] =	stream.strided.scatter [tilespmem:s17], [sflag:$0x4], $0x2000, s9, s8, $0x38;
	[tilespmem:$0x12400] =	vst v63  }
0x109: {  	s20 =	sadd.s32 $0x1, s20  }
0x10a: {  	_ =	swait.ge [sflag:s18], $0x2000;
	p0 =	sne.s32 s20, s7  }
.Ltmp3:
0x10b: {  	[sflag:s18] =	ssyncset.done $0x0;
	(pc) =	sbr.rel @p0 .LBB2_1-.Ltmp3, $4  }
0x10c: {  	[sflag:s18] =	ssyncadd.s32 $0xFFFFE000  }
0x10d: {  	_ =	swait.ge [sflag:s19], $0x2000  }
0x10e: {  	[sflag:s19] =	ssyncset.done $0x0  }
0x10f: {  	[sflag:s19] =	ssyncadd.s32 $0xFFFFE000  }
0x110: {  	_ =	sfence.sel $0x180000  }
0x111: {  	[bflag:$0x0] =	sbarrier.arrive $0xFFFF  }
0x112: {  	p0 =	sne.s32 s2, $0x0;
	_ =	strace $0x9000004A  }
0x113: {  	s0 =	sadd.s32 @!p0 $0x100000, s0;
	[bflag:$0x2] =	sbarrier.arrive $0xFFFF  }
0x114: {  	[sflag:s0] =	ssyncadd.tile.s32 @!p0 $0x1;
	_ =	shalt  }
.Lfunc_end2:
_tile_overlayer_lowered:
.L_overlay_start_2:
0x115: {  	(tag) =	ssettag $0x2  }
0x116: {  	s0 =	rddreg [dreg:$0x0];
	s2 =	stileid.u32  }
0x117: {  	s1 =	rddreg [dreg:$0x1];
	p0 =	sne.s32 s2, $0x0  }
0x118: {  	s3 =	rddreg [dreg:$0x2];
	[bflag:$0x3] =	sbarrier.arrive $0xFFFF;
	s2 =	simm.s32 @!p0 $0x1C05  }
0x119: {  	[timem:s3], [sflag:s2] =	dma.local @!p0 [hbm:s0], s1  }
0x11a: {  	s0 =	simm.s32 @!p0 $0x5  }
0x11b: {  	_ =	swait.ge @!p0 [sflag:s0], s1  }
0x11c: {  	s1 =	ssub.s32 @!p0 $0x0, s1;
	[sflag:s0] =	ssyncset.done @!p0 $0x0  }
0x11d: {  	[sflag:s0] =	ssyncadd.s32 @!p0 s1  }
0x11e: {  	[bflag:$0x3] =	sbarrier.arrive $0xFFFF  }
0x11f: {  	_ =	shalt  }

</sc_bundles>
